<compile_context>
chip_gen: v7x
topology: tpu7x:2x2x1
jax: 0.10.2.dev20260603
libtpu: 0.0.44.dev20260713+nightly
codegen_flags: <defaults>
</compile_context>

<pallas_src>
import functools

import jax
import jax.numpy as jnp
from jax import lax
from jax.experimental import pallas as pl
from jax.experimental.pallas import tpu as pltpu
from jax.experimental.pallas import tpu_sc as plsc

N = 100000
M = 9
MG = 10
E = N * MG
BN = 2000
NB = N // BN
NC, NS = 2, 16
NW_USED = 25
BPW = E // NW_USED
EPS_BN = 1e-5
_CHUNK = {32: 800, 64: 400}


def _fold(p):
    W1, b1, g1, be1, W2, b2, g2, be2 = p
    s = 1.0 / jnp.sqrt(1.0 + EPS_BN)
    a1 = g1 * s
    a2 = g2 * s
    W1e = W1.T * a1[None, :]
    b1e = (b1 * a1 + be1)[None, :]
    W2e = W2.T * a2[None, :]
    b2e = (b2 * a2 + be2)[None, :]
    return W1e, b1e, W2e, b2e


def _bd_ext(wpair, C, D1):
    W1e, b1e, W2e, b2e = wpair
    eye = jnp.eye(M, dtype=jnp.float32)
    W1ext = jnp.concatenate([W1e, jnp.zeros((D1 - 6, C), jnp.float32)],
                             axis=0)
    return (jnp.kron(eye, W1ext), jnp.tile(b1e, (1, M)),
            jnp.kron(eye, W2e), jnp.tile(b2e, (1, M)), W1e)


def _nb_body(n_ref, x_ref, nb_ref, sums_ref, acc_ref):
    i = pl.program_id(0)
    n = n_ref[...]
    rows = lax.broadcasted_iota(jnp.int32, (BN, M), 0) + i * BN
    rowcol = lax.broadcasted_iota(jnp.int32, (BN, 1), 0) + i * BN
    nb_ref[...] = jnp.concatenate([jnp.where(n == 0, rows, n), rowcol],
                                  axis=1)

    @pl.when(i == 0)
    def _():
        acc_ref[...] = jnp.zeros_like(acc_ref)

    x3 = x_ref[:, 0:3]
    acc_ref[...] = acc_ref[...] + jnp.sum(x3 * x3, axis=0, keepdims=True)
    sums_ref[...] = acc_ref[...]


_nb_fix = pl.pallas_call(
    _nb_body,
    grid=(NB,),
    in_specs=[pl.BlockSpec((BN, M), lambda i: (i, 0)),
              pl.BlockSpec((BN, 9), lambda i: (i, 0))],
    out_specs=[pl.BlockSpec((BN, MG), lambda i: (i, 0)),
               pl.BlockSpec((1, 3), lambda i: (0, 0))],
    out_shape=[jax.ShapeDtypeStruct((N, MG), jnp.int32),
               jax.ShapeDtypeStruct((1, 3), jnp.float32)],
    scratch_shapes=[pltpu.VMEM((1, 3), jnp.float32)],
)


def _prep_body(x_ref, sums_ref, w1e_ref, b1e_ref, w2e_ref, b2e_ref,
               pf6_ref, t1_ref):
    x = x_ref[...]
    nrm = jnp.maximum(jnp.sqrt(sums_ref[...]), 1e-12)
    pf6 = jnp.concatenate([x[:, 0:3] / nrm, x[:, 3:6] * (1.0 / 255.0)],
                          axis=1)
    pf6_ref[...] = pf6
    h = jnp.maximum(
        jnp.dot(pf6, w1e_ref[...], preferred_element_type=jnp.float32)
        + b1e_ref[...], 0.0)
    f1 = (jnp.dot(h, w2e_ref[...], preferred_element_type=jnp.float32)
          + b2e_ref[...])
    sel = jnp.concatenate([x[:, 0:3], x[:, 6:9]], axis=1)
    t1_ref[...] = jnp.concatenate(
        [sel, f1, jnp.zeros((sel.shape[0], 14), jnp.float32)],
        axis=1).astype(jnp.bfloat16)


def _wfull(shape):
    return pl.BlockSpec(shape, lambda i: (0, 0))


_prep = pl.pallas_call(
    _prep_body,
    grid=(NB,),
    in_specs=[
        pl.BlockSpec((BN, 9), lambda i: (i, 0)),
        _wfull((1, 3)),
        _wfull((6, 12)), _wfull((1, 12)), _wfull((12, 12)), _wfull((1, 12)),
    ],
    out_specs=[
        pl.BlockSpec((BN, 6), lambda i: (i, 0)),
        pl.BlockSpec((BN, 32), lambda i: (i, 0)),
    ],
    out_shape=[
        jax.ShapeDtypeStruct((N, 6), jnp.float32),
        jax.ShapeDtypeStruct((N, 32), jnp.bfloat16),
    ],
)


def _make_sc_gather(D):
    CH = _CHUNK[D]
    nch = BPW // CH
    assert nch % 2 == 0 and CH % 8 == 0 and BPW % CH == 0
    mesh = plsc.VectorSubcoreMesh(core_axis_name="c", subcore_axis_name="s")

    @functools.partial(
        pl.kernel,
        mesh=mesh,
        compiler_params=pltpu.CompilerParams(use_tc_tiling_on_sc=False),
        out_type=jax.ShapeDtypeStruct((E, D), jnp.bfloat16),
        scratch_types=[
            pltpu.VMEM((BPW,), jnp.int32),
            pltpu.VMEM((2, CH, D), jnp.bfloat16),
            pltpu.SemaphoreType.DMA,
            pltpu.SemaphoreType.DMA,
            pltpu.SemaphoreType.DMA,
            pltpu.SemaphoreType.DMA,
        ],
    )
    def gk(table, idxh, out, idx_v, rows_v, g0, g1, w0, w1):
        wid = lax.axis_index("s") * NC + lax.axis_index("c")

        @pl.when(wid < NW_USED)
        def _():
            base = wid * BPW
            pltpu.sync_copy(idxh.at[pl.ds(base, BPW)], idx_v)
            gs = (g0, g1)
            ws = (w0, w1)

            def g_copy(k, slot):
                return pltpu.make_async_copy(
                    table.at[idx_v.at[pl.ds(k * CH, CH)]], rows_v.at[slot],
                    gs[slot])

            def w_copy(k, slot):
                return pltpu.make_async_copy(
                    rows_v.at[slot], out.at[pl.ds(base + k * CH, CH)],
                    ws[slot])

            g_copy(0, 0).start()
            g_copy(1, 1).start()

            def loop_body(hh, carry):
                k0 = 2 * hh
                k1 = k0 + 1
                g_copy(k0, 0).wait()
                w_copy(k0, 0).start()
                g_copy(k1, 1).wait()
                w_copy(k1, 1).start()
                w_copy(k0, 0).wait()

                @pl.when(k0 + 2 < nch)
                def _():
                    g_copy(k0 + 2, 0).start()

                w_copy(k1, 1).wait()

                @pl.when(k1 + 2 < nch)
                def _():
                    g_copy(k1 + 2, 1).start()

                return carry

            lax.fori_loop(0, nch // 2, loop_body, 0)

    return gk


_gather32 = _make_sc_gather(32)
_gather64 = _make_sc_gather(64)


def _make_combiner(C, Cn, D1, D1n, final):
    d9c = M * C

    def body(g_ref, wbd1_ref, bbd1_ref, wbd2_ref, bbd2_ref, wself_ref,
             wu1_ref, bu1_ref, wu2_ref, bu2_ref, *rest):
        if final:
            feas1_ref, feas2_ref, pf6_ref, out_ref = rest
        else:
            wf1_ref, bf1_ref, wf2_ref, bf2_ref, feas_ref, tn_ref = rest
        g = g_ref[...].astype(jnp.float32)
        s = g[:, M * D1:M * D1 + 6]
        selw = jnp.dot(s, wself_ref[...], preferred_element_type=jnp.float32)
        selw9 = jnp.concatenate([selw] * M, axis=1)
        h = jnp.maximum(
            jnp.dot(g[:, :M * D1], wbd1_ref[...],
                    preferred_element_type=jnp.float32)
            + bbd1_ref[...] - selw9, 0.0)
        w = (jnp.dot(h, wbd2_ref[...], preferred_element_type=jnp.float32)
             + bbd2_ref[...])
        gf = jnp.concatenate(
            [g[:, m * D1 + 6:m * D1 + 6 + C] for m in range(M)], axis=1)
        prod = w * gf
        t = jnp.maximum(
            jnp.dot(prod, wu1_ref[...], preferred_element_type=jnp.float32)
            + bu1_ref[...], 0.0)
        feas = (jnp.dot(t, wu2_ref[...], preferred_element_type=jnp.float32)
                + bu2_ref[...])
        if final:
            out_ref[...] = jnp.concatenate(
                [feas, feas2_ref[...], feas1_ref[...], pf6_ref[...]], axis=1)
        else:
            feas_ref[...] = feas
            th = jnp.maximum(
                jnp.dot(feas, wf1_ref[...],
                        preferred_element_type=jnp.float32) + bf1_ref[...],
                0.0)
            fn = (jnp.dot(th, wf2_ref[...],
                          preferred_element_type=jnp.float32) + bf2_ref[...])
            pad = jnp.zeros((s.shape[0], D1n - 6 - Cn), jnp.float32)
            tn_ref[...] = jnp.concatenate([s, fn, pad],
                                          axis=1).astype(jnp.bfloat16)

    def blk(shape):
        return pl.BlockSpec(shape, lambda i: (i, 0))

    in_specs = [
        blk((BN, MG * D1)),
        _wfull((M * D1, d9c)), _wfull((1, d9c)), _wfull((d9c, d9c)),
        _wfull((1, d9c)), _wfull((6, C)),
        _wfull((d9c, C)), _wfull((1, C)), _wfull((C, C)), _wfull((1, C)),
    ]
    if final:
        in_specs += [blk((BN, 12)), blk((BN, 24)), blk((BN, 6))]
        out_specs = blk((BN, 90))
        out_shape = jax.ShapeDtypeStruct((N, 90), jnp.float32)
    else:
        in_specs += [_wfull((C, Cn)), _wfull((1, Cn)), _wfull((Cn, Cn)),
                     _wfull((1, Cn))]
        out_specs = [blk((BN, C)), blk((BN, D1n))]
        out_shape = [jax.ShapeDtypeStruct((N, C), jnp.float32),
                     jax.ShapeDtypeStruct((N, D1n), jnp.bfloat16)]

    return pl.pallas_call(body, grid=(NB,), in_specs=in_specs,
                          out_specs=out_specs, out_shape=out_shape)


_comb1 = _make_combiner(12, 24, 32, 32, final=False)
_comb2 = _make_combiner(24, 48, 32, 64, final=False)
_comb3 = _make_combiner(48, None, 64, None, final=True)


def kernel(points_features, points_neighbor, p1f, p1w, p1u, p2f, p2w, p2u,
           p3f, p3w, p3u):
    x = points_features

    nb10, sums = _nb_fix(points_neighbor, x)
    idx = nb10.reshape(E)

    f1w = _fold(p1f)
    u1w = _fold(p1u)
    f2w = _fold(p2f)
    u2w = _fold(p2u)
    f3w = _fold(p3f)
    u3w = _fold(p3u)
    wbd1 = _bd_ext(_fold(p1w), 12, 32)
    wbd2 = _bd_ext(_fold(p2w), 24, 32)
    wbd3 = _bd_ext(_fold(p3w), 48, 64)

    pf6, t1 = _prep(x, sums, *f1w)
    g1 = _gather32(t1, idx).reshape(N, MG * 32)
    feas1, t2 = _comb1(g1, *wbd1, *u1w, *f2w)
    g2 = _gather32(t2, idx).reshape(N, MG * 32)
    feas2, t3 = _comb2(g2, *wbd2, *u2w, *f3w)
    g3 = _gather64(t3, idx).reshape(N, MG * 64)
    return _comb3(g3, *wbd3, *u3w, feas1, feas2, pf6)

# --- scband reference (transcript-rebuilt; emitter-appended) ---
"""Pipeline reference for scband-cpconvs-317827580557 (READ-ONLY COPY).

The authoritative reference and input builder live on the scoring server;
editing this copy changes nothing except your own understanding.
"""

import jax, jax.numpy as jnp
import numpy as np

EPS_BN = 1e-5

def _make_pn(key, cin, cout):
    k1, k2 = jax.random.split(key)
    W1 = jax.random.normal(k1, (cout, cin), dtype=jnp.float32) * 0.1
    b1 = jnp.zeros((cout,), jnp.float32)
    g1 = jnp.ones((cout,), jnp.float32)
    be1 = jnp.zeros((cout,), jnp.float32)
    W2 = jax.random.normal(k2, (cout, cout), dtype=jnp.float32) * 0.1
    b2 = jnp.zeros((cout,), jnp.float32)
    g2 = jnp.ones((cout,), jnp.float32)
    be2 = jnp.zeros((cout,), jnp.float32)
    return (W1, b1, g1, be1, W2, b2, g2, be2)

def _pn_apply(params, x):
    # PointNet: Conv1d(k=1) -> BN(eval) -> ReLU -> Conv1d(k=1) -> BN(eval)
    W1, b1, g1, be1, W2, b2, g2, be2 = params
    s = 1.0 / jnp.sqrt(1.0 + EPS_BN)  # eval-mode BN: running_mean=0, running_var=1
    h = x @ W1.T + b1
    h = h * (g1 * s) + be1
    h = jax.nn.relu(h)
    h = h @ W2.T + b2
    h = h * (g2 * s) + be2
    return h

def _l2norm0(x):
    n = jnp.sqrt(jnp.sum(x * x, axis=0, keepdims=True))
    return x / jnp.maximum(n, 1e-12)

def setup_inputs(seed: int = 0):
    key = jax.random.key(seed)
    ks = jax.random.split(key, 11)
    N, M = 100000, 9
    points_features = jax.random.normal(ks[0], (N, 9), dtype=jnp.float32)
    points_neighbor = jax.random.randint(ks[1], (N, M), 0, N, dtype=jnp.int32)
    return {
        'points_features': points_features,
        'points_neighbor': points_neighbor,
        'p1f': _make_pn(ks[2], 6, 12),
        'p1w': _make_pn(ks[3], 6, 12),
        'p1u': _make_pn(ks[4], 108, 12),
        'p2f': _make_pn(ks[5], 12, 24),
        'p2w': _make_pn(ks[6], 6, 24),
        'p2u': _make_pn(ks[7], 216, 24),
        'p3f': _make_pn(ks[8], 24, 48),
        'p3w': _make_pn(ks[9], 6, 48),
        'p3u': _make_pn(ks[10], 432, 48),
    }

def reference(points_features, points_neighbor, p1f, p1w, p1u, p2f, p2w, p2u, p3f, p3w, p3u):
    N = points_features.shape[0]
    M = points_neighbor.shape[1]
    row = jnp.arange(N, dtype=points_neighbor.dtype)[:, None]
    nb = jnp.where(points_neighbor == 0, row, points_neighbor)
    flat = nb.reshape(-1)
    sel = points_features[:, jnp.array([0, 1, 2, 6, 7, 8])]
    nbr_sel = jnp.take(sel, flat, axis=0).reshape(N, M, 6)
    xyzuvr = nbr_sel - sel[:, None, :]
    pf = jnp.concatenate([
        _l2norm0(points_features[:, :3]),
        points_features[:, 3:6] / 255.0,
        _l2norm0(points_features[:, 6:9]),
    ], axis=1)
    f1 = _pn_apply(p1f, pf[:, :6].reshape(N, 1, 6)).reshape(N, 12)
    g1v = jnp.take(f1, flat, axis=0).reshape(N, M, 12)
    w1 = _pn_apply(p1w, xyzuvr)
    feas1 = _pn_apply(p1u, (g1v * w1).reshape(N, 1, 12 * M)).reshape(N, 12)
    f2 = _pn_apply(p2f, feas1.reshape(N, 1, 12)).reshape(N, 24)
    g2v = jnp.take(f2, flat, axis=0).reshape(N, M, 24)
    w2 = _pn_apply(p2w, xyzuvr)
    feas2 = _pn_apply(p2u, (g2v * w2).reshape(N, 1, 24 * M)).reshape(N, 24)
    f3 = _pn_apply(p3f, feas2.reshape(N, 1, 24)).reshape(N, 48)
    g3v = jnp.take(f3, flat, axis=0).reshape(N, M, 48)
    w3 = _pn_apply(p3w, xyzuvr)
    feas3 = _pn_apply(p3u, (g3v * w3).reshape(N, 1, 48 * M)).reshape(N, 48)
    return jnp.concatenate([feas3, feas2, feas1, pf[:, :6]], axis=-1)

if __name__ == "__main__":
    import jax
    _d = setup_inputs()
    print(jax.jit(kernel)(*tuple(_d.values())))

</pallas_src>

<mosaic_0001>
#map = affine_map<(d0, d1) -> (0, 0)>
#map1 = affine_map<(d0, d1) -> (0)>
module attributes {stable_mosaic.version = 14 : i64} {
  func.func @gk(%arg0: i32, %arg1: i32, %arg2: memref<100000x32xbf16, #tpu.memory_space<hbm>>, %arg3: memref<1000000xi32, #tpu.memory_space<hbm>>, %arg4: memref<1000000x32xbf16, #tpu.memory_space<hbm>>, %arg5: memref<40000xi32, #tpu.memory_space<vmem>>, %arg6: memref<2x800x32xbf16, #tpu.memory_space<vmem>>, %arg7: memref<!tpu.dma_semaphore, #tpu.memory_space<semaphore_mem>>, %arg8: memref<!tpu.dma_semaphore, #tpu.memory_space<semaphore_mem>>, %arg9: memref<!tpu.dma_semaphore, #tpu.memory_space<semaphore_mem>>, %arg10: memref<!tpu.dma_semaphore, #tpu.memory_space<semaphore_mem>>) attributes {dimension_semantics = [#tpu.dimension_semantics<core_parallel>, #tpu.dimension_semantics<subcore_parallel>], iteration_bounds = array<i64: 2, 16>, scalar_prefetch = 0 : i64, scratch_operands = 6 : i64, tpu.core_type = #tpu.core_type<sc_vector_subcore>, window_params = [{transform_indices = #map}, {transform_indices = #map1}, {transform_indices = #map}]} {
    %mul3A = arith.constant 2 : i32
    %mul3A_0 = arith.muli %arg1, %mul3A : i32
    %add3A = arith.addi %mul3A_0, %arg0 : i32
    %lt3A = arith.constant 25 : i32
    %lt3A_1 = arith.cmpi slt, %add3A, %lt3A : i32
    %convert_element_type3A = arith.extui %lt3A_1 : i1 to i32
    %cond3A = arith.constant 0 : i32
    %cond3A_2 = arith.cmpi ne, %convert_element_type3A, %cond3A : i32
    scf.if %cond3A_2 {
      %mul3A_3 = arith.constant 40000 : i32
      %mul3A_4 = arith.muli %add3A, %mul3A_3 : i32
      "tpu.region"() ({
        %run_scoped3A = tpu.sem_alloc : memref<!tpu.dma_semaphore, #tpu.memory_space<semaphore_mem>>
        %dma_start3A_29 = tpu.memref_slice %arg3[%mul3A_4] : memref<1000000xi32, #tpu.memory_space<hbm>> -> memref<40000xi32, #tpu.memory_space<hbm>>
        %dma_start3A_30 = tpu.memref_slice %arg3[%mul3A_4] : memref<1000000xi32, #tpu.memory_space<hbm>> -> memref<40000xi32, #tpu.memory_space<hbm>>
        tpu.enqueue_dma source(%dma_start3A_30 : memref<40000xi32, #tpu.memory_space<hbm>>) target(%arg5 : memref<40000xi32, #tpu.memory_space<vmem>>) target_semaphore(%run_scoped3A : memref<!tpu.dma_semaphore, #tpu.memory_space<semaphore_mem>>)
        %dma_wait3A = tpu.memref_slice %arg3[%mul3A_4] : memref<1000000xi32, #tpu.memory_space<hbm>> -> memref<40000xi32, #tpu.memory_space<hbm>>
        %dma_wait3A_31 = tpu.memref_slice %arg3[%mul3A_4] : memref<1000000xi32, #tpu.memory_space<hbm>> -> memref<40000xi32, #tpu.memory_space<hbm>>
        tpu.wait_dma2 semaphore(%run_scoped3A : memref<!tpu.dma_semaphore, #tpu.memory_space<semaphore_mem>>) src(%dma_wait3A_31 : memref<40000xi32, #tpu.memory_space<hbm>>) dst(%arg5 : memref<40000xi32, #tpu.memory_space<vmem>>)
        tpu.yield
      }) : () -> ()
      %dma_start3A = arith.constant 0 : i32
      %dma_start3A_5 = arith.constant 0 : i32
      %dma_start3A_6 = arith.constant 0 : i32
      %dma_start3A_7 = tpu.memref_slice %arg6[%dma_start3A, %dma_start3A_5, %dma_start3A_6] : memref<2x800x32xbf16, #tpu.memory_space<vmem>> -> memref<1x800x32xbf16, #tpu.memory_space<vmem>>
      %dma_start3A_8 = tpu.memref_squeeze %dma_start3A_7 : memref<1x800x32xbf16, #tpu.memory_space<vmem>> -> memref<800x32xbf16, #tpu.memory_space<vmem>>
      %dma_start3A_9 = arith.constant 0 : i32
      %dma_start3A_10 = tpu.memref_slice %arg5[%dma_start3A_9] : memref<40000xi32, #tpu.memory_space<vmem>> -> memref<800xi32, #tpu.memory_space<vmem>>
      %dma_start3A_11 = arith.constant 0 : i32
      %dma_start3A_12 = arith.constant 0 : i32
      %dma_start3A_13 = tpu.memref_slice %arg2[%dma_start3A_11, %dma_start3A_12] : memref<100000x32xbf16, #tpu.memory_space<hbm>> -> memref<100000x32xbf16, #tpu.memory_space<hbm>>
      tpu.enqueue_indirect_dma source(%dma_start3A_13 : memref<100000x32xbf16, #tpu.memory_space<hbm>>) target(%dma_start3A_8 : memref<800x32xbf16, #tpu.memory_space<vmem>>) offsets(%dma_start3A_10 : memref<800xi32, #tpu.memory_space<vmem>>) semaphore(%arg7 : memref<!tpu.dma_semaphore, #tpu.memory_space<semaphore_mem>>)
      %dma_start3A_14 = arith.constant 1 : i32
      %dma_start3A_15 = arith.constant 0 : i32
      %dma_start3A_16 = arith.constant 0 : i32
      %dma_start3A_17 = tpu.memref_slice %arg6[%dma_start3A_14, %dma_start3A_15, %dma_start3A_16] : memref<2x800x32xbf16, #tpu.memory_space<vmem>> -> memref<1x800x32xbf16, #tpu.memory_space<vmem>>
      %dma_start3A_18 = tpu.memref_squeeze %dma_start3A_17 : memref<1x800x32xbf16, #tpu.memory_space<vmem>> -> memref<800x32xbf16, #tpu.memory_space<vmem>>
      %dma_start3A_19 = arith.constant 800 : i32
      %dma_start3A_20 = tpu.memref_slice %arg5[%dma_start3A_19] : memref<40000xi32, #tpu.memory_space<vmem>> -> memref<800xi32, #tpu.memory_space<vmem>>
      %dma_start3A_21 = arith.constant 0 : i32
      %dma_start3A_22 = arith.constant 0 : i32
      %dma_start3A_23 = tpu.memref_slice %arg2[%dma_start3A_21, %dma_start3A_22] : memref<100000x32xbf16, #tpu.memory_space<hbm>> -> memref<100000x32xbf16, #tpu.memory_space<hbm>>
      tpu.enqueue_indirect_dma source(%dma_start3A_23 : memref<100000x32xbf16, #tpu.memory_space<hbm>>) target(%dma_start3A_18 : memref<800x32xbf16, #tpu.memory_space<vmem>>) offsets(%dma_start3A_20 : memref<800xi32, #tpu.memory_space<vmem>>) semaphore(%arg8 : memref<!tpu.dma_semaphore, #tpu.memory_space<semaphore_mem>>)
      %scan3A = arith.constant 0 : i32
      %scan3A_24 = arith.constant 0 : i32
      %scan3A_25 = arith.constant 25 : i32
      %scan3A_26 = arith.addi %scan3A_24, %scan3A_25 : i32
      %scan3A_27 = arith.constant 1 : i32
      scf.for %scan3A_29 = %scan3A_24 to %scan3A_26 step %scan3A_27  : i32 {
        %mul3A_30 = arith.constant 2 : i32
        %mul3A_31 = arith.muli %mul3A_30, %scan3A_29 : i32
        %add3A_32 = arith.constant 1 : i32
        %add3A_33 = arith.addi %mul3A_31, %add3A_32 : i32
        %mul3A_34 = arith.constant 800 : i32
        %mul3A_35 = arith.muli %mul3A_31, %mul3A_34 : i32
        %dma_wait3A = arith.constant 0 : i32
        %dma_wait3A_36 = arith.constant 0 : i32
        %dma_wait3A_37 = arith.constant 0 : i32
        %dma_wait3A_38 = tpu.memref_slice %arg6[%dma_wait3A, %dma_wait3A_36, %dma_wait3A_37] : memref<2x800x32xbf16, #tpu.memory_space<vmem>> -> memref<1x800x32xbf16, #tpu.memory_space<vmem>>
        %dma_wait3A_39 = tpu.memref_squeeze %dma_wait3A_38 : memref<1x800x32xbf16, #tpu.memory_space<vmem>> -> memref<800x32xbf16, #tpu.memory_space<vmem>>
        %dma_wait3A_40 = tpu.memref_slice %arg5[%mul3A_35] : memref<40000xi32, #tpu.memory_space<vmem>> -> memref<800xi32, #tpu.memory_space<vmem>>
        %dma_wait3A_41 = arith.constant 0 : i32
        %dma_wait3A_42 = arith.constant 0 : i32
        %dma_wait3A_43 = tpu.memref_slice %arg2[%dma_wait3A_41, %dma_wait3A_42] : memref<100000x32xbf16, #tpu.memory_space<hbm>> -> memref<100000x32xbf16, #tpu.memory_space<hbm>>
        tpu.wait_indirect_dma semaphore(%arg7 : memref<!tpu.dma_semaphore, #tpu.memory_space<semaphore_mem>>) src(%dma_wait3A_43 : memref<100000x32xbf16, #tpu.memory_space<hbm>>) dst(%dma_wait3A_39 : memref<800x32xbf16, #tpu.memory_space<vmem>>)
        %mul3A_44 = arith.constant 800 : i32
        %mul3A_45 = arith.muli %mul3A_31, %mul3A_44 : i32
        %add3A_46 = arith.addi %mul3A_4, %mul3A_45 : i32
        %dma_start3A_47 = arith.constant 0 : i32
        %dma_start3A_48 = arith.constant 0 : i32
        %dma_start3A_49 = arith.constant 0 : i32
        %dma_start3A_50 = tpu.memref_slice %arg6[%dma_start3A_47, %dma_start3A_48, %dma_start3A_49] : memref<2x800x32xbf16, #tpu.memory_space<vmem>> -> memref<1x800x32xbf16, #tpu.memory_space<vmem>>
        %dma_start3A_51 = tpu.memref_squeeze %dma_start3A_50 : memref<1x800x32xbf16, #tpu.memory_space<vmem>> -> memref<800x32xbf16, #tpu.memory_space<vmem>>
        %dma_start3A_52 = arith.constant 0 : i32
        %dma_start3A_53 = tpu.memref_slice %arg4[%add3A_46, %dma_start3A_52] : memref<1000000x32xbf16, #tpu.memory_space<hbm>> -> memref<800x32xbf16, #tpu.memory_space<hbm>>
        %dma_start3A_54 = arith.constant 0 : i32
        %dma_start3A_55 = tpu.memref_slice %arg4[%add3A_46, %dma_start3A_54] : memref<1000000x32xbf16, #tpu.memory_space<hbm>> -> memref<800x32xbf16, #tpu.memory_space<hbm>>
        %dma_start3A_56 = arith.constant 0 : i32
        %dma_start3A_57 = arith.constant 0 : i32
        %dma_start3A_58 = tpu.memref_slice %arg6[%dma_start3A_47, %dma_start3A_56, %dma_start3A_57] : memref<2x800x32xbf16, #tpu.memory_space<vmem>> -> memref<1x800x32xbf16, #tpu.memory_space<vmem>>
        %dma_start3A_59 = tpu.memref_squeeze %dma_start3A_58 : memref<1x800x32xbf16, #tpu.memory_space<vmem>> -> memref<800x32xbf16, #tpu.memory_space<vmem>>
        tpu.enqueue_dma source(%dma_start3A_59 : memref<800x32xbf16, #tpu.memory_space<vmem>>) target(%dma_start3A_55 : memref<800x32xbf16, #tpu.memory_space<hbm>>) target_semaphore(%arg9 : memref<!tpu.dma_semaphore, #tpu.memory_space<semaphore_mem>>)
        %mul3A_60 = arith.constant 800 : i32
        %mul3A_61 = arith.muli %add3A_33, %mul3A_60 : i32
        %dma_wait3A_62 = arith.constant 1 : i32
        %dma_wait3A_63 = arith.constant 0 : i32
        %dma_wait3A_64 = arith.constant 0 : i32
        %dma_wait3A_65 = tpu.memref_slice %arg6[%dma_wait3A_62, %dma_wait3A_63, %dma_wait3A_64] : memref<2x800x32xbf16, #tpu.memory_space<vmem>> -> memref<1x800x32xbf16, #tpu.memory_space<vmem>>
        %dma_wait3A_66 = tpu.memref_squeeze %dma_wait3A_65 : memref<1x800x32xbf16, #tpu.memory_space<vmem>> -> memref<800x32xbf16, #tpu.memory_space<vmem>>
        %dma_wait3A_67 = tpu.memref_slice %arg5[%mul3A_61] : memref<40000xi32, #tpu.memory_space<vmem>> -> memref<800xi32, #tpu.memory_space<vmem>>
        %dma_wait3A_68 = arith.constant 0 : i32
        %dma_wait3A_69 = arith.constant 0 : i32
        %dma_wait3A_70 = tpu.memref_slice %arg2[%dma_wait3A_68, %dma_wait3A_69] : memref<100000x32xbf16, #tpu.memory_space<hbm>> -> memref<100000x32xbf16, #tpu.memory_space<hbm>>
        tpu.wait_indirect_dma semaphore(%arg8 : memref<!tpu.dma_semaphore, #tpu.memory_space<semaphore_mem>>) src(%dma_wait3A_70 : memref<100000x32xbf16, #tpu.memory_space<hbm>>) dst(%dma_wait3A_66 : memref<800x32xbf16, #tpu.memory_space<vmem>>)
        %mul3A_71 = arith.constant 800 : i32
        %mul3A_72 = arith.muli %add3A_33, %mul3A_71 : i32
        %add3A_73 = arith.addi %mul3A_4, %mul3A_72 : i32
        %dma_start3A_74 = arith.constant 1 : i32
        %dma_start3A_75 = arith.constant 0 : i32
        %dma_start3A_76 = arith.constant 0 : i32
        %dma_start3A_77 = tpu.memref_slice %arg6[%dma_start3A_74, %dma_start3A_75, %dma_start3A_76] : memref<2x800x32xbf16, #tpu.memory_space<vmem>> -> memref<1x800x32xbf16, #tpu.memory_space<vmem>>
        %dma_start3A_78 = tpu.memref_squeeze %dma_start3A_77 : memref<1x800x32xbf16, #tpu.memory_space<vmem>> -> memref<800x32xbf16, #tpu.memory_space<vmem>>
        %dma_start3A_79 = arith.constant 0 : i32
        %dma_start3A_80 = tpu.memref_slice %arg4[%add3A_73, %dma_start3A_79] : memref<1000000x32xbf16, #tpu.memory_space<hbm>> -> memref<800x32xbf16, #tpu.memory_space<hbm>>
        %dma_start3A_81 = arith.constant 0 : i32
        %dma_start3A_82 = tpu.memref_slice %arg4[%add3A_73, %dma_start3A_81] : memref<1000000x32xbf16, #tpu.memory_space<hbm>> -> memref<800x32xbf16, #tpu.memory_space<hbm>>
        %dma_start3A_83 = arith.constant 0 : i32
        %dma_start3A_84 = arith.constant 0 : i32
        %dma_start3A_85 = tpu.memref_slice %arg6[%dma_start3A_74, %dma_start3A_83, %dma_start3A_84] : memref<2x800x32xbf16, #tpu.memory_space<vmem>> -> memref<1x800x32xbf16, #tpu.memory_space<vmem>>
        %dma_start3A_86 = tpu.memref_squeeze %dma_start3A_85 : memref<1x800x32xbf16, #tpu.memory_space<vmem>> -> memref<800x32xbf16, #tpu.memory_space<vmem>>
        tpu.enqueue_dma source(%dma_start3A_86 : memref<800x32xbf16, #tpu.memory_space<vmem>>) target(%dma_start3A_82 : memref<800x32xbf16, #tpu.memory_space<hbm>>) target_semaphore(%arg10 : memref<!tpu.dma_semaphore, #tpu.memory_space<semaphore_mem>>)
        %mul3A_87 = arith.constant 800 : i32
        %mul3A_88 = arith.muli %mul3A_31, %mul3A_87 : i32
        %add3A_89 = arith.addi %mul3A_4, %mul3A_88 : i32
        %dma_wait3A_90 = arith.constant 0 : i32
        %dma_wait3A_91 = arith.constant 0 : i32
        %dma_wait3A_92 = arith.constant 0 : i32
        %dma_wait3A_93 = tpu.memref_slice %arg6[%dma_wait3A_90, %dma_wait3A_91, %dma_wait3A_92] : memref<2x800x32xbf16, #tpu.memory_space<vmem>> -> memref<1x800x32xbf16, #tpu.memory_space<vmem>>
        %dma_wait3A_94 = tpu.memref_squeeze %dma_wait3A_93 : memref<1x800x32xbf16, #tpu.memory_space<vmem>> -> memref<800x32xbf16, #tpu.memory_space<vmem>>
        %dma_wait3A_95 = arith.constant 0 : i32
        %dma_wait3A_96 = tpu.memref_slice %arg4[%add3A_89, %dma_wait3A_95] : memref<1000000x32xbf16, #tpu.memory_space<hbm>> -> memref<800x32xbf16, #tpu.memory_space<hbm>>
        %dma_wait3A_97 = arith.constant 0 : i32
        %dma_wait3A_98 = tpu.memref_slice %arg4[%add3A_89, %dma_wait3A_97] : memref<1000000x32xbf16, #tpu.memory_space<hbm>> -> memref<800x32xbf16, #tpu.memory_space<hbm>>
        %dma_wait3A_99 = arith.constant 0 : i32
        %dma_wait3A_100 = arith.constant 0 : i32
        %dma_wait3A_101 = tpu.memref_slice %arg6[%dma_wait3A_90, %dma_wait3A_99, %dma_wait3A_100] : memref<2x800x32xbf16, #tpu.memory_space<vmem>> -> memref<1x800x32xbf16, #tpu.memory_space<vmem>>
        %dma_wait3A_102 = tpu.memref_squeeze %dma_wait3A_101 : memref<1x800x32xbf16, #tpu.memory_space<vmem>> -> memref<800x32xbf16, #tpu.memory_space<vmem>>
        tpu.wait_dma2 semaphore(%arg9 : memref<!tpu.dma_semaphore, #tpu.memory_space<semaphore_mem>>) src(%dma_wait3A_102 : memref<800x32xbf16, #tpu.memory_space<vmem>>) dst(%dma_wait3A_98 : memref<800x32xbf16, #tpu.memory_space<hbm>>)
        %add3A_103 = arith.constant 2 : i32
        %add3A_104 = arith.addi %mul3A_31, %add3A_103 : i32
        %lt3A_105 = arith.constant 50 : i32
        %lt3A_106 = arith.cmpi slt, %add3A_104, %lt3A_105 : i32
        %convert_element_type3A_107 = arith.extui %lt3A_106 : i1 to i32
        %cond3A_108 = arith.constant 0 : i32
        %cond3A_109 = arith.cmpi ne, %convert_element_type3A_107, %cond3A_108 : i32
        scf.if %cond3A_109 {
          %add3A_133 = arith.constant 2 : i32
          %add3A_134 = arith.addi %mul3A_31, %add3A_133 : i32
          %mul3A_135 = arith.constant 800 : i32
          %mul3A_136 = arith.muli %add3A_134, %mul3A_135 : i32
          %dma_start3A_137 = arith.constant 0 : i32
          %dma_start3A_138 = arith.constant 0 : i32
          %dma_start3A_139 = arith.constant 0 : i32
          %dma_start3A_140 = tpu.memref_slice %arg6[%dma_start3A_137, %dma_start3A_138, %dma_start3A_139] : memref<2x800x32xbf16, #tpu.memory_space<vmem>> -> memref<1x800x32xbf16, #tpu.memory_space<vmem>>
          %dma_start3A_141 = tpu.memref_squeeze %dma_start3A_140 : memref<1x800x32xbf16, #tpu.memory_space<vmem>> -> memref<800x32xbf16, #tpu.memory_space<vmem>>
          %dma_start3A_142 = tpu.memref_slice %arg5[%mul3A_136] : memref<40000xi32, #tpu.memory_space<vmem>> -> memref<800xi32, #tpu.memory_space<vmem>>
          %dma_start3A_143 = arith.constant 0 : i32
          %dma_start3A_144 = arith.constant 0 : i32
          %dma_start3A_145 = tpu.memref_slice %arg2[%dma_start3A_143, %dma_start3A_144] : memref<100000x32xbf16, #tpu.memory_space<hbm>> -> memref<100000x32xbf16, #tpu.memory_space<hbm>>
          tpu.enqueue_indirect_dma source(%dma_start3A_145 : memref<100000x32xbf16, #tpu.memory_space<hbm>>) target(%dma_start3A_141 : memref<800x32xbf16, #tpu.memory_space<vmem>>) offsets(%dma_start3A_142 : memref<800xi32, #tpu.memory_space<vmem>>) semaphore(%arg7 : memref<!tpu.dma_semaphore, #tpu.memory_space<semaphore_mem>>)
        } else {
        }
        %mul3A_110 = arith.constant 800 : i32
        %mul3A_111 = arith.muli %add3A_33, %mul3A_110 : i32
        %add3A_112 = arith.addi %mul3A_4, %mul3A_111 : i32
        %dma_wait3A_113 = arith.constant 1 : i32
        %dma_wait3A_114 = arith.constant 0 : i32
        %dma_wait3A_115 = arith.constant 0 : i32
        %dma_wait3A_116 = tpu.memref_slice %arg6[%dma_wait3A_113, %dma_wait3A_114, %dma_wait3A_115] : memref<2x800x32xbf16, #tpu.memory_space<vmem>> -> memref<1x800x32xbf16, #tpu.memory_space<vmem>>
        %dma_wait3A_117 = tpu.memref_squeeze %dma_wait3A_116 : memref<1x800x32xbf16, #tpu.memory_space<vmem>> -> memref<800x32xbf16, #tpu.memory_space<vmem>>
        %dma_wait3A_118 = arith.constant 0 : i32
        %dma_wait3A_119 = tpu.memref_slice %arg4[%add3A_112, %dma_wait3A_118] : memref<1000000x32xbf16, #tpu.memory_space<hbm>> -> memref<800x32xbf16, #tpu.memory_space<hbm>>
        %dma_wait3A_120 = arith.constant 0 : i32
        %dma_wait3A_121 = tpu.memref_slice %arg4[%add3A_112, %dma_wait3A_120] : memref<1000000x32xbf16, #tpu.memory_space<hbm>> -> memref<800x32xbf16, #tpu.memory_space<hbm>>
        %dma_wait3A_122 = arith.constant 0 : i32
        %dma_wait3A_123 = arith.constant 0 : i32
        %dma_wait3A_124 = tpu.memref_slice %arg6[%dma_wait3A_113, %dma_wait3A_122, %dma_wait3A_123] : memref<2x800x32xbf16, #tpu.memory_space<vmem>> -> memref<1x800x32xbf16, #tpu.memory_space<vmem>>
        %dma_wait3A_125 = tpu.memref_squeeze %dma_wait3A_124 : memref<1x800x32xbf16, #tpu.memory_space<vmem>> -> memref<800x32xbf16, #tpu.memory_space<vmem>>
        tpu.wait_dma2 semaphore(%arg10 : memref<!tpu.dma_semaphore, #tpu.memory_space<semaphore_mem>>) src(%dma_wait3A_125 : memref<800x32xbf16, #tpu.memory_space<vmem>>) dst(%dma_wait3A_121 : memref<800x32xbf16, #tpu.memory_space<hbm>>)
        %add3A_126 = arith.constant 2 : i32
        %add3A_127 = arith.addi %add3A_33, %add3A_126 : i32
        %lt3A_128 = arith.constant 50 : i32
        %lt3A_129 = arith.cmpi slt, %add3A_127, %lt3A_128 : i32
        %convert_element_type3A_130 = arith.extui %lt3A_129 : i1 to i32
        %cond3A_131 = arith.constant 0 : i32
        %cond3A_132 = arith.cmpi ne, %convert_element_type3A_130, %cond3A_131 : i32
        scf.if %cond3A_132 {
          %add3A_133 = arith.constant 2 : i32
          %add3A_134 = arith.addi %add3A_33, %add3A_133 : i32
          %mul3A_135 = arith.constant 800 : i32
          %mul3A_136 = arith.muli %add3A_134, %mul3A_135 : i32
          %dma_start3A_137 = arith.constant 1 : i32
          %dma_start3A_138 = arith.constant 0 : i32
          %dma_start3A_139 = arith.constant 0 : i32
          %dma_start3A_140 = tpu.memref_slice %arg6[%dma_start3A_137, %dma_start3A_138, %dma_start3A_139] : memref<2x800x32xbf16, #tpu.memory_space<vmem>> -> memref<1x800x32xbf16, #tpu.memory_space<vmem>>
          %dma_start3A_141 = tpu.memref_squeeze %dma_start3A_140 : memref<1x800x32xbf16, #tpu.memory_space<vmem>> -> memref<800x32xbf16, #tpu.memory_space<vmem>>
          %dma_start3A_142 = tpu.memref_slice %arg5[%mul3A_136] : memref<40000xi32, #tpu.memory_space<vmem>> -> memref<800xi32, #tpu.memory_space<vmem>>
          %dma_start3A_143 = arith.constant 0 : i32
          %dma_start3A_144 = arith.constant 0 : i32
          %dma_start3A_145 = tpu.memref_slice %arg2[%dma_start3A_143, %dma_start3A_144] : memref<100000x32xbf16, #tpu.memory_space<hbm>> -> memref<100000x32xbf16, #tpu.memory_space<hbm>>
          tpu.enqueue_indirect_dma source(%dma_start3A_145 : memref<100000x32xbf16, #tpu.memory_space<hbm>>) target(%dma_start3A_141 : memref<800x32xbf16, #tpu.memory_space<vmem>>) offsets(%dma_start3A_142 : memref<800xi32, #tpu.memory_space<vmem>>) semaphore(%arg8 : memref<!tpu.dma_semaphore, #tpu.memory_space<semaphore_mem>>)
        } else {
        }
      }
      %scan3A_28 = arith.constant 25 : i32
    } else {
    }
    return
  }
}

#map = affine_map<(d0, d1) -> (0, 0)>
#map1 = affine_map<(d0, d1) -> (0)>
module attributes {stable_mosaic.version = 14 : i64} {
  func.func @gk(%arg0: i32, %arg1: i32, %arg2: memref<100000x64xbf16, #tpu.memory_space<hbm>>, %arg3: memref<1000000xi32, #tpu.memory_space<hbm>>, %arg4: memref<1000000x64xbf16, #tpu.memory_space<hbm>>, %arg5: memref<40000xi32, #tpu.memory_space<vmem>>, %arg6: memref<2x400x64xbf16, #tpu.memory_space<vmem>>, %arg7: memref<!tpu.dma_semaphore, #tpu.memory_space<semaphore_mem>>, %arg8: memref<!tpu.dma_semaphore, #tpu.memory_space<semaphore_mem>>, %arg9: memref<!tpu.dma_semaphore, #tpu.memory_space<semaphore_mem>>, %arg10: memref<!tpu.dma_semaphore, #tpu.memory_space<semaphore_mem>>) attributes {dimension_semantics = [#tpu.dimension_semantics<core_parallel>, #tpu.dimension_semantics<subcore_parallel>], iteration_bounds = array<i64: 2, 16>, scalar_prefetch = 0 : i64, scratch_operands = 6 : i64, tpu.core_type = #tpu.core_type<sc_vector_subcore>, window_params = [{transform_indices = #map}, {transform_indices = #map1}, {transform_indices = #map}]} {
    %mul3A = arith.constant 2 : i32
    %mul3A_0 = arith.muli %arg1, %mul3A : i32
    %add3A = arith.addi %mul3A_0, %arg0 : i32
    %lt3A = arith.constant 25 : i32
    %lt3A_1 = arith.cmpi slt, %add3A, %lt3A : i32
    %convert_element_type3A = arith.extui %lt3A_1 : i1 to i32
    %cond3A = arith.constant 0 : i32
    %cond3A_2 = arith.cmpi ne, %convert_element_type3A, %cond3A : i32
    scf.if %cond3A_2 {
      %mul3A_3 = arith.constant 40000 : i32
      %mul3A_4 = arith.muli %add3A, %mul3A_3 : i32
      "tpu.region"() ({
        %run_scoped3A = tpu.sem_alloc : memref<!tpu.dma_semaphore, #tpu.memory_space<semaphore_mem>>
        %dma_start3A_29 = tpu.memref_slice %arg3[%mul3A_4] : memref<1000000xi32, #tpu.memory_space<hbm>> -> memref<40000xi32, #tpu.memory_space<hbm>>
        %dma_start3A_30 = tpu.memref_slice %arg3[%mul3A_4] : memref<1000000xi32, #tpu.memory_space<hbm>> -> memref<40000xi32, #tpu.memory_space<hbm>>
        tpu.enqueue_dma source(%dma_start3A_30 : memref<40000xi32, #tpu.memory_space<hbm>>) target(%arg5 : memref<40000xi32, #tpu.memory_space<vmem>>) target_semaphore(%run_scoped3A : memref<!tpu.dma_semaphore, #tpu.memory_space<semaphore_mem>>)
        %dma_wait3A = tpu.memref_slice %arg3[%mul3A_4] : memref<1000000xi32, #tpu.memory_space<hbm>> -> memref<40000xi32, #tpu.memory_space<hbm>>
        %dma_wait3A_31 = tpu.memref_slice %arg3[%mul3A_4] : memref<1000000xi32, #tpu.memory_space<hbm>> -> memref<40000xi32, #tpu.memory_space<hbm>>
        tpu.wait_dma2 semaphore(%run_scoped3A : memref<!tpu.dma_semaphore, #tpu.memory_space<semaphore_mem>>) src(%dma_wait3A_31 : memref<40000xi32, #tpu.memory_space<hbm>>) dst(%arg5 : memref<40000xi32, #tpu.memory_space<vmem>>)
        tpu.yield
      }) : () -> ()
      %dma_start3A = arith.constant 0 : i32
      %dma_start3A_5 = arith.constant 0 : i32
      %dma_start3A_6 = arith.constant 0 : i32
      %dma_start3A_7 = tpu.memref_slice %arg6[%dma_start3A, %dma_start3A_5, %dma_start3A_6] : memref<2x400x64xbf16, #tpu.memory_space<vmem>> -> memref<1x400x64xbf16, #tpu.memory_space<vmem>>
      %dma_start3A_8 = tpu.memref_squeeze %dma_start3A_7 : memref<1x400x64xbf16, #tpu.memory_space<vmem>> -> memref<400x64xbf16, #tpu.memory_space<vmem>>
      %dma_start3A_9 = arith.constant 0 : i32
      %dma_start3A_10 = tpu.memref_slice %arg5[%dma_start3A_9] : memref<40000xi32, #tpu.memory_space<vmem>> -> memref<400xi32, #tpu.memory_space<vmem>>
      %dma_start3A_11 = arith.constant 0 : i32
      %dma_start3A_12 = arith.constant 0 : i32
      %dma_start3A_13 = tpu.memref_slice %arg2[%dma_start3A_11, %dma_start3A_12] : memref<100000x64xbf16, #tpu.memory_space<hbm>> -> memref<100000x64xbf16, #tpu.memory_space<hbm>>
      tpu.enqueue_indirect_dma source(%dma_start3A_13 : memref<100000x64xbf16, #tpu.memory_space<hbm>>) target(%dma_start3A_8 : memref<400x64xbf16, #tpu.memory_space<vmem>>) offsets(%dma_start3A_10 : memref<400xi32, #tpu.memory_space<vmem>>) semaphore(%arg7 : memref<!tpu.dma_semaphore, #tpu.memory_space<semaphore_mem>>)
      %dma_start3A_14 = arith.constant 1 : i32
      %dma_start3A_15 = arith.constant 0 : i32
      %dma_start3A_16 = arith.constant 0 : i32
      %dma_start3A_17 = tpu.memref_slice %arg6[%dma_start3A_14, %dma_start3A_15, %dma_start3A_16] : memref<2x400x64xbf16, #tpu.memory_space<vmem>> -> memref<1x400x64xbf16, #tpu.memory_space<vmem>>
      %dma_start3A_18 = tpu.memref_squeeze %dma_start3A_17 : memref<1x400x64xbf16, #tpu.memory_space<vmem>> -> memref<400x64xbf16, #tpu.memory_space<vmem>>
      %dma_start3A_19 = arith.constant 400 : i32
      %dma_start3A_20 = tpu.memref_slice %arg5[%dma_start3A_19] : memref<40000xi32, #tpu.memory_space<vmem>> -> memref<400xi32, #tpu.memory_space<vmem>>
      %dma_start3A_21 = arith.constant 0 : i32
      %dma_start3A_22 = arith.constant 0 : i32
      %dma_start3A_23 = tpu.memref_slice %arg2[%dma_start3A_21, %dma_start3A_22] : memref<100000x64xbf16, #tpu.memory_space<hbm>> -> memref<100000x64xbf16, #tpu.memory_space<hbm>>
      tpu.enqueue_indirect_dma source(%dma_start3A_23 : memref<100000x64xbf16, #tpu.memory_space<hbm>>) target(%dma_start3A_18 : memref<400x64xbf16, #tpu.memory_space<vmem>>) offsets(%dma_start3A_20 : memref<400xi32, #tpu.memory_space<vmem>>) semaphore(%arg8 : memref<!tpu.dma_semaphore, #tpu.memory_space<semaphore_mem>>)
      %scan3A = arith.constant 0 : i32
      %scan3A_24 = arith.constant 0 : i32
      %scan3A_25 = arith.constant 50 : i32
      %scan3A_26 = arith.addi %scan3A_24, %scan3A_25 : i32
      %scan3A_27 = arith.constant 1 : i32
      scf.for %scan3A_29 = %scan3A_24 to %scan3A_26 step %scan3A_27  : i32 {
        %mul3A_30 = arith.constant 2 : i32
        %mul3A_31 = arith.muli %mul3A_30, %scan3A_29 : i32
        %add3A_32 = arith.constant 1 : i32
        %add3A_33 = arith.addi %mul3A_31, %add3A_32 : i32
        %mul3A_34 = arith.constant 400 : i32
        %mul3A_35 = arith.muli %mul3A_31, %mul3A_34 : i32
        %dma_wait3A = arith.constant 0 : i32
        %dma_wait3A_36 = arith.constant 0 : i32
        %dma_wait3A_37 = arith.constant 0 : i32
        %dma_wait3A_38 = tpu.memref_slice %arg6[%dma_wait3A, %dma_wait3A_36, %dma_wait3A_37] : memref<2x400x64xbf16, #tpu.memory_space<vmem>> -> memref<1x400x64xbf16, #tpu.memory_space<vmem>>
        %dma_wait3A_39 = tpu.memref_squeeze %dma_wait3A_38 : memref<1x400x64xbf16, #tpu.memory_space<vmem>> -> memref<400x64xbf16, #tpu.memory_space<vmem>>
        %dma_wait3A_40 = tpu.memref_slice %arg5[%mul3A_35] : memref<40000xi32, #tpu.memory_space<vmem>> -> memref<400xi32, #tpu.memory_space<vmem>>
        %dma_wait3A_41 = arith.constant 0 : i32
        %dma_wait3A_42 = arith.constant 0 : i32
        %dma_wait3A_43 = tpu.memref_slice %arg2[%dma_wait3A_41, %dma_wait3A_42] : memref<100000x64xbf16, #tpu.memory_space<hbm>> -> memref<100000x64xbf16, #tpu.memory_space<hbm>>
        tpu.wait_indirect_dma semaphore(%arg7 : memref<!tpu.dma_semaphore, #tpu.memory_space<semaphore_mem>>) src(%dma_wait3A_43 : memref<100000x64xbf16, #tpu.memory_space<hbm>>) dst(%dma_wait3A_39 : memref<400x64xbf16, #tpu.memory_space<vmem>>)
        %mul3A_44 = arith.constant 400 : i32
        %mul3A_45 = arith.muli %mul3A_31, %mul3A_44 : i32
        %add3A_46 = arith.addi %mul3A_4, %mul3A_45 : i32
        %dma_start3A_47 = arith.constant 0 : i32
        %dma_start3A_48 = arith.constant 0 : i32
        %dma_start3A_49 = arith.constant 0 : i32
        %dma_start3A_50 = tpu.memref_slice %arg6[%dma_start3A_47, %dma_start3A_48, %dma_start3A_49] : memref<2x400x64xbf16, #tpu.memory_space<vmem>> -> memref<1x400x64xbf16, #tpu.memory_space<vmem>>
        %dma_start3A_51 = tpu.memref_squeeze %dma_start3A_50 : memref<1x400x64xbf16, #tpu.memory_space<vmem>> -> memref<400x64xbf16, #tpu.memory_space<vmem>>
        %dma_start3A_52 = arith.constant 0 : i32
        %dma_start3A_53 = tpu.memref_slice %arg4[%add3A_46, %dma_start3A_52] : memref<1000000x64xbf16, #tpu.memory_space<hbm>> -> memref<400x64xbf16, #tpu.memory_space<hbm>>
        %dma_start3A_54 = arith.constant 0 : i32
        %dma_start3A_55 = tpu.memref_slice %arg4[%add3A_46, %dma_start3A_54] : memref<1000000x64xbf16, #tpu.memory_space<hbm>> -> memref<400x64xbf16, #tpu.memory_space<hbm>>
        %dma_start3A_56 = arith.constant 0 : i32
        %dma_start3A_57 = arith.constant 0 : i32
        %dma_start3A_58 = tpu.memref_slice %arg6[%dma_start3A_47, %dma_start3A_56, %dma_start3A_57] : memref<2x400x64xbf16, #tpu.memory_space<vmem>> -> memref<1x400x64xbf16, #tpu.memory_space<vmem>>
        %dma_start3A_59 = tpu.memref_squeeze %dma_start3A_58 : memref<1x400x64xbf16, #tpu.memory_space<vmem>> -> memref<400x64xbf16, #tpu.memory_space<vmem>>
        tpu.enqueue_dma source(%dma_start3A_59 : memref<400x64xbf16, #tpu.memory_space<vmem>>) target(%dma_start3A_55 : memref<400x64xbf16, #tpu.memory_space<hbm>>) target_semaphore(%arg9 : memref<!tpu.dma_semaphore, #tpu.memory_space<semaphore_mem>>)
        %mul3A_60 = arith.constant 400 : i32
        %mul3A_61 = arith.muli %add3A_33, %mul3A_60 : i32
        %dma_wait3A_62 = arith.constant 1 : i32
        %dma_wait3A_63 = arith.constant 0 : i32
        %dma_wait3A_64 = arith.constant 0 : i32
        %dma_wait3A_65 = tpu.memref_slice %arg6[%dma_wait3A_62, %dma_wait3A_63, %dma_wait3A_64] : memref<2x400x64xbf16, #tpu.memory_space<vmem>> -> memref<1x400x64xbf16, #tpu.memory_space<vmem>>
        %dma_wait3A_66 = tpu.memref_squeeze %dma_wait3A_65 : memref<1x400x64xbf16, #tpu.memory_space<vmem>> -> memref<400x64xbf16, #tpu.memory_space<vmem>>
        %dma_wait3A_67 = tpu.memref_slice %arg5[%mul3A_61] : memref<40000xi32, #tpu.memory_space<vmem>> -> memref<400xi32, #tpu.memory_space<vmem>>
        %dma_wait3A_68 = arith.constant 0 : i32
        %dma_wait3A_69 = arith.constant 0 : i32
        %dma_wait3A_70 = tpu.memref_slice %arg2[%dma_wait3A_68, %dma_wait3A_69] : memref<100000x64xbf16, #tpu.memory_space<hbm>> -> memref<100000x64xbf16, #tpu.memory_space<hbm>>
        tpu.wait_indirect_dma semaphore(%arg8 : memref<!tpu.dma_semaphore, #tpu.memory_space<semaphore_mem>>) src(%dma_wait3A_70 : memref<100000x64xbf16, #tpu.memory_space<hbm>>) dst(%dma_wait3A_66 : memref<400x64xbf16, #tpu.memory_space<vmem>>)
        %mul3A_71 = arith.constant 400 : i32
        %mul3A_72 = arith.muli %add3A_33, %mul3A_71 : i32
        %add3A_73 = arith.addi %mul3A_4, %mul3A_72 : i32
        %dma_start3A_74 = arith.constant 1 : i32
        %dma_start3A_75 = arith.constant 0 : i32
        %dma_start3A_76 = arith.constant 0 : i32
        %dma_start3A_77 = tpu.memref_slice %arg6[%dma_start3A_74, %dma_start3A_75, %dma_start3A_76] : memref<2x400x64xbf16, #tpu.memory_space<vmem>> -> memref<1x400x64xbf16, #tpu.memory_space<vmem>>
        %dma_start3A_78 = tpu.memref_squeeze %dma_start3A_77 : memref<1x400x64xbf16, #tpu.memory_space<vmem>> -> memref<400x64xbf16, #tpu.memory_space<vmem>>
        %dma_start3A_79 = arith.constant 0 : i32
        %dma_start3A_80 = tpu.memref_slice %arg4[%add3A_73, %dma_start3A_79] : memref<1000000x64xbf16, #tpu.memory_space<hbm>> -> memref<400x64xbf16, #tpu.memory_space<hbm>>
        %dma_start3A_81 = arith.constant 0 : i32
        %dma_start3A_82 = tpu.memref_slice %arg4[%add3A_73, %dma_start3A_81] : memref<1000000x64xbf16, #tpu.memory_space<hbm>> -> memref<400x64xbf16, #tpu.memory_space<hbm>>
        %dma_start3A_83 = arith.constant 0 : i32
        %dma_start3A_84 = arith.constant 0 : i32
        %dma_start3A_85 = tpu.memref_slice %arg6[%dma_start3A_74, %dma_start3A_83, %dma_start3A_84] : memref<2x400x64xbf16, #tpu.memory_space<vmem>> -> memref<1x400x64xbf16, #tpu.memory_space<vmem>>
        %dma_start3A_86 = tpu.memref_squeeze %dma_start3A_85 : memref<1x400x64xbf16, #tpu.memory_space<vmem>> -> memref<400x64xbf16, #tpu.memory_space<vmem>>
        tpu.enqueue_dma source(%dma_start3A_86 : memref<400x64xbf16, #tpu.memory_space<vmem>>) target(%dma_start3A_82 : memref<400x64xbf16, #tpu.memory_space<hbm>>) target_semaphore(%arg10 : memref<!tpu.dma_semaphore, #tpu.memory_space<semaphore_mem>>)
        %mul3A_87 = arith.constant 400 : i32
        %mul3A_88 = arith.muli %mul3A_31, %mul3A_87 : i32
        %add3A_89 = arith.addi %mul3A_4, %mul3A_88 : i32
        %dma_wait3A_90 = arith.constant 0 : i32
        %dma_wait3A_91 = arith.constant 0 : i32
        %dma_wait3A_92 = arith.constant 0 : i32
        %dma_wait3A_93 = tpu.memref_slice %arg6[%dma_wait3A_90, %dma_wait3A_91, %dma_wait3A_92] : memref<2x400x64xbf16, #tpu.memory_space<vmem>> -> memref<1x400x64xbf16, #tpu.memory_space<vmem>>
        %dma_wait3A_94 = tpu.memref_squeeze %dma_wait3A_93 : memref<1x400x64xbf16, #tpu.memory_space<vmem>> -> memref<400x64xbf16, #tpu.memory_space<vmem>>
        %dma_wait3A_95 = arith.constant 0 : i32
        %dma_wait3A_96 = tpu.memref_slice %arg4[%add3A_89, %dma_wait3A_95] : memref<1000000x64xbf16, #tpu.memory_space<hbm>> -> memref<400x64xbf16, #tpu.memory_space<hbm>>
        %dma_wait3A_97 = arith.constant 0 : i32
        %dma_wait3A_98 = tpu.memref_slice %arg4[%add3A_89, %dma_wait3A_97] : memref<1000000x64xbf16, #tpu.memory_space<hbm>> -> memref<400x64xbf16, #tpu.memory_space<hbm>>
        %dma_wait3A_99 = arith.constant 0 : i32
        %dma_wait3A_100 = arith.constant 0 : i32
        %dma_wait3A_101 = tpu.memref_slice %arg6[%dma_wait3A_90, %dma_wait3A_99, %dma_wait3A_100] : memref<2x400x64xbf16, #tpu.memory_space<vmem>> -> memref<1x400x64xbf16, #tpu.memory_space<vmem>>
        %dma_wait3A_102 = tpu.memref_squeeze %dma_wait3A_101 : memref<1x400x64xbf16, #tpu.memory_space<vmem>> -> memref<400x64xbf16, #tpu.memory_space<vmem>>
        tpu.wait_dma2 semaphore(%arg9 : memref<!tpu.dma_semaphore, #tpu.memory_space<semaphore_mem>>) src(%dma_wait3A_102 : memref<400x64xbf16, #tpu.memory_space<vmem>>) dst(%dma_wait3A_98 : memref<400x64xbf16, #tpu.memory_space<hbm>>)
        %add3A_103 = arith.constant 2 : i32
        %add3A_104 = arith.addi %mul3A_31, %add3A_103 : i32
        %lt3A_105 = arith.constant 100 : i32
        %lt3A_106 = arith.cmpi slt, %add3A_104, %lt3A_105 : i32
        %convert_element_type3A_107 = arith.extui %lt3A_106 : i1 to i32
        %cond3A_108 = arith.constant 0 : i32
        %cond3A_109 = arith.cmpi ne, %convert_element_type3A_107, %cond3A_108 : i32
        scf.if %cond3A_109 {
          %add3A_133 = arith.constant 2 : i32
          %add3A_134 = arith.addi %mul3A_31, %add3A_133 : i32
          %mul3A_135 = arith.constant 400 : i32
          %mul3A_136 = arith.muli %add3A_134, %mul3A_135 : i32
          %dma_start3A_137 = arith.constant 0 : i32
          %dma_start3A_138 = arith.constant 0 : i32
          %dma_start3A_139 = arith.constant 0 : i32
          %dma_start3A_140 = tpu.memref_slice %arg6[%dma_start3A_137, %dma_start3A_138, %dma_start3A_139] : memref<2x400x64xbf16, #tpu.memory_space<vmem>> -> memref<1x400x64xbf16, #tpu.memory_space<vmem>>
          %dma_start3A_141 = tpu.memref_squeeze %dma_start3A_140 : memref<1x400x64xbf16, #tpu.memory_space<vmem>> -> memref<400x64xbf16, #tpu.memory_space<vmem>>
          %dma_start3A_142 = tpu.memref_slice %arg5[%mul3A_136] : memref<40000xi32, #tpu.memory_space<vmem>> -> memref<400xi32, #tpu.memory_space<vmem>>
          %dma_start3A_143 = arith.constant 0 : i32
          %dma_start3A_144 = arith.constant 0 : i32
          %dma_start3A_145 = tpu.memref_slice %arg2[%dma_start3A_143, %dma_start3A_144] : memref<100000x64xbf16, #tpu.memory_space<hbm>> -> memref<100000x64xbf16, #tpu.memory_space<hbm>>
          tpu.enqueue_indirect_dma source(%dma_start3A_145 : memref<100000x64xbf16, #tpu.memory_space<hbm>>) target(%dma_start3A_141 : memref<400x64xbf16, #tpu.memory_space<vmem>>) offsets(%dma_start3A_142 : memref<400xi32, #tpu.memory_space<vmem>>) semaphore(%arg7 : memref<!tpu.dma_semaphore, #tpu.memory_space<semaphore_mem>>)
        } else {
        }
        %mul3A_110 = arith.constant 400 : i32
        %mul3A_111 = arith.muli %add3A_33, %mul3A_110 : i32
        %add3A_112 = arith.addi %mul3A_4, %mul3A_111 : i32
        %dma_wait3A_113 = arith.constant 1 : i32
        %dma_wait3A_114 = arith.constant 0 : i32
        %dma_wait3A_115 = arith.constant 0 : i32
        %dma_wait3A_116 = tpu.memref_slice %arg6[%dma_wait3A_113, %dma_wait3A_114, %dma_wait3A_115] : memref<2x400x64xbf16, #tpu.memory_space<vmem>> -> memref<1x400x64xbf16, #tpu.memory_space<vmem>>
        %dma_wait3A_117 = tpu.memref_squeeze %dma_wait3A_116 : memref<1x400x64xbf16, #tpu.memory_space<vmem>> -> memref<400x64xbf16, #tpu.memory_space<vmem>>
        %dma_wait3A_118 = arith.constant 0 : i32
        %dma_wait3A_119 = tpu.memref_slice %arg4[%add3A_112, %dma_wait3A_118] : memref<1000000x64xbf16, #tpu.memory_space<hbm>> -> memref<400x64xbf16, #tpu.memory_space<hbm>>
        %dma_wait3A_120 = arith.constant 0 : i32
        %dma_wait3A_121 = tpu.memref_slice %arg4[%add3A_112, %dma_wait3A_120] : memref<1000000x64xbf16, #tpu.memory_space<hbm>> -> memref<400x64xbf16, #tpu.memory_space<hbm>>
        %dma_wait3A_122 = arith.constant 0 : i32
        %dma_wait3A_123 = arith.constant 0 : i32
        %dma_wait3A_124 = tpu.memref_slice %arg6[%dma_wait3A_113, %dma_wait3A_122, %dma_wait3A_123] : memref<2x400x64xbf16, #tpu.memory_space<vmem>> -> memref<1x400x64xbf16, #tpu.memory_space<vmem>>
        %dma_wait3A_125 = tpu.memref_squeeze %dma_wait3A_124 : memref<1x400x64xbf16, #tpu.memory_space<vmem>> -> memref<400x64xbf16, #tpu.memory_space<vmem>>
        tpu.wait_dma2 semaphore(%arg10 : memref<!tpu.dma_semaphore, #tpu.memory_space<semaphore_mem>>) src(%dma_wait3A_125 : memref<400x64xbf16, #tpu.memory_space<vmem>>) dst(%dma_wait3A_121 : memref<400x64xbf16, #tpu.memory_space<hbm>>)
        %add3A_126 = arith.constant 2 : i32
        %add3A_127 = arith.addi %add3A_33, %add3A_126 : i32
        %lt3A_128 = arith.constant 100 : i32
        %lt3A_129 = arith.cmpi slt, %add3A_127, %lt3A_128 : i32
        %convert_element_type3A_130 = arith.extui %lt3A_129 : i1 to i32
        %cond3A_131 = arith.constant 0 : i32
        %cond3A_132 = arith.cmpi ne, %convert_element_type3A_130, %cond3A_131 : i32
        scf.if %cond3A_132 {
          %add3A_133 = arith.constant 2 : i32
          %add3A_134 = arith.addi %add3A_33, %add3A_133 : i32
          %mul3A_135 = arith.constant 400 : i32
          %mul3A_136 = arith.muli %add3A_134, %mul3A_135 : i32
          %dma_start3A_137 = arith.constant 1 : i32
          %dma_start3A_138 = arith.constant 0 : i32
          %dma_start3A_139 = arith.constant 0 : i32
          %dma_start3A_140 = tpu.memref_slice %arg6[%dma_start3A_137, %dma_start3A_138, %dma_start3A_139] : memref<2x400x64xbf16, #tpu.memory_space<vmem>> -> memref<1x400x64xbf16, #tpu.memory_space<vmem>>
          %dma_start3A_141 = tpu.memref_squeeze %dma_start3A_140 : memref<1x400x64xbf16, #tpu.memory_space<vmem>> -> memref<400x64xbf16, #tpu.memory_space<vmem>>
          %dma_start3A_142 = tpu.memref_slice %arg5[%mul3A_136] : memref<40000xi32, #tpu.memory_space<vmem>> -> memref<400xi32, #tpu.memory_space<vmem>>
          %dma_start3A_143 = arith.constant 0 : i32
          %dma_start3A_144 = arith.constant 0 : i32
          %dma_start3A_145 = tpu.memref_slice %arg2[%dma_start3A_143, %dma_start3A_144] : memref<100000x64xbf16, #tpu.memory_space<hbm>> -> memref<100000x64xbf16, #tpu.memory_space<hbm>>
          tpu.enqueue_indirect_dma source(%dma_start3A_145 : memref<100000x64xbf16, #tpu.memory_space<hbm>>) target(%dma_start3A_141 : memref<400x64xbf16, #tpu.memory_space<vmem>>) offsets(%dma_start3A_142 : memref<400xi32, #tpu.memory_space<vmem>>) semaphore(%arg8 : memref<!tpu.dma_semaphore, #tpu.memory_space<semaphore_mem>>)
        } else {
        }
      }
      %scan3A_28 = arith.constant 50 : i32
    } else {
    }
    return
  }
}

#map = affine_map<(d0, d1) -> (0, 0)>
#map1 = affine_map<(d0, d1) -> (0)>
module attributes {stable_mosaic.version = 14 : i64} {
  func.func @gk(%arg0: i32, %arg1: i32, %arg2: memref<100000x32xbf16, #tpu.memory_space<hbm>>, %arg3: memref<1000000xi32, #tpu.memory_space<hbm>>, %arg4: memref<1000000x32xbf16, #tpu.memory_space<hbm>>, %arg5: memref<40000xi32, #tpu.memory_space<vmem>>, %arg6: memref<2x800x32xbf16, #tpu.memory_space<vmem>>, %arg7: memref<!tpu.dma_semaphore, #tpu.memory_space<semaphore_mem>>, %arg8: memref<!tpu.dma_semaphore, #tpu.memory_space<semaphore_mem>>, %arg9: memref<!tpu.dma_semaphore, #tpu.memory_space<semaphore_mem>>, %arg10: memref<!tpu.dma_semaphore, #tpu.memory_space<semaphore_mem>>) attributes {dimension_semantics = [#tpu.dimension_semantics<core_parallel>, #tpu.dimension_semantics<subcore_parallel>], iteration_bounds = array<i64: 2, 16>, scalar_prefetch = 0 : i64, scratch_operands = 6 : i64, tpu.core_type = #tpu.core_type<sc_vector_subcore>, window_params = [{transform_indices = #map}, {transform_indices = #map1}, {transform_indices = #map}]} {
    %mul3A = arith.constant 2 : i32
    %mul3A_0 = arith.muli %arg1, %mul3A : i32
    %add3A = arith.addi %mul3A_0, %arg0 : i32
    %lt3A = arith.constant 25 : i32
    %lt3A_1 = arith.cmpi slt, %add3A, %lt3A : i32
    %convert_element_type3A = arith.extui %lt3A_1 : i1 to i32
    %cond3A = arith.constant 0 : i32
    %cond3A_2 = arith.cmpi ne, %convert_element_type3A, %cond3A : i32
    scf.if %cond3A_2 {
      %mul3A_3 = arith.constant 40000 : i32
      %mul3A_4 = arith.muli %add3A, %mul3A_3 : i32
      "tpu.region"() ({
        %run_scoped3A = tpu.sem_alloc : memref<!tpu.dma_semaphore, #tpu.memory_space<semaphore_mem>>
        %dma_start3A_29 = tpu.memref_slice %arg3[%mul3A_4] : memref<1000000xi32, #tpu.memory_space<hbm>> -> memref<40000xi32, #tpu.memory_space<hbm>>
        %dma_start3A_30 = tpu.memref_slice %arg3[%mul3A_4] : memref<1000000xi32, #tpu.memory_space<hbm>> -> memref<40000xi32, #tpu.memory_space<hbm>>
        tpu.enqueue_dma source(%dma_start3A_30 : memref<40000xi32, #tpu.memory_space<hbm>>) target(%arg5 : memref<40000xi32, #tpu.memory_space<vmem>>) target_semaphore(%run_scoped3A : memref<!tpu.dma_semaphore, #tpu.memory_space<semaphore_mem>>)
        %dma_wait3A = tpu.memref_slice %arg3[%mul3A_4] : memref<1000000xi32, #tpu.memory_space<hbm>> -> memref<40000xi32, #tpu.memory_space<hbm>>
        %dma_wait3A_31 = tpu.memref_slice %arg3[%mul3A_4] : memref<1000000xi32, #tpu.memory_space<hbm>> -> memref<40000xi32, #tpu.memory_space<hbm>>
        tpu.wait_dma2 semaphore(%run_scoped3A : memref<!tpu.dma_semaphore, #tpu.memory_space<semaphore_mem>>) src(%dma_wait3A_31 : memref<40000xi32, #tpu.memory_space<hbm>>) dst(%arg5 : memref<40000xi32, #tpu.memory_space<vmem>>)
        tpu.yield
      }) : () -> ()
      %dma_start3A = arith.constant 0 : i32
      %dma_start3A_5 = arith.constant 0 : i32
      %dma_start3A_6 = arith.constant 0 : i32
      %dma_start3A_7 = tpu.memref_slice %arg6[%dma_start3A, %dma_start3A_5, %dma_start3A_6] : memref<2x800x32xbf16, #tpu.memory_space<vmem>> -> memref<1x800x32xbf16, #tpu.memory_space<vmem>>
      %dma_start3A_8 = tpu.memref_squeeze %dma_start3A_7 : memref<1x800x32xbf16, #tpu.memory_space<vmem>> -> memref<800x32xbf16, #tpu.memory_space<vmem>>
      %dma_start3A_9 = arith.constant 0 : i32
      %dma_start3A_10 = tpu.memref_slice %arg5[%dma_start3A_9] : memref<40000xi32, #tpu.memory_space<vmem>> -> memref<800xi32, #tpu.memory_space<vmem>>
      %dma_start3A_11 = arith.constant 0 : i32
      %dma_start3A_12 = arith.constant 0 : i32
      %dma_start3A_13 = tpu.memref_slice %arg2[%dma_start3A_11, %dma_start3A_12] : memref<100000x32xbf16, #tpu.memory_space<hbm>> -> memref<100000x32xbf16, #tpu.memory_space<hbm>>
      tpu.enqueue_indirect_dma source(%dma_start3A_13 : memref<100000x32xbf16, #tpu.memory_space<hbm>>) target(%dma_start3A_8 : memref<800x32xbf16, #tpu.memory_space<vmem>>) offsets(%dma_start3A_10 : memref<800xi32, #tpu.memory_space<vmem>>) semaphore(%arg7 : memref<!tpu.dma_semaphore, #tpu.memory_space<semaphore_mem>>)
      %dma_start3A_14 = arith.constant 1 : i32
      %dma_start3A_15 = arith.constant 0 : i32
      %dma_start3A_16 = arith.constant 0 : i32
      %dma_start3A_17 = tpu.memref_slice %arg6[%dma_start3A_14, %dma_start3A_15, %dma_start3A_16] : memref<2x800x32xbf16, #tpu.memory_space<vmem>> -> memref<1x800x32xbf16, #tpu.memory_space<vmem>>
      %dma_start3A_18 = tpu.memref_squeeze %dma_start3A_17 : memref<1x800x32xbf16, #tpu.memory_space<vmem>> -> memref<800x32xbf16, #tpu.memory_space<vmem>>
      %dma_start3A_19 = arith.constant 800 : i32
      %dma_start3A_20 = tpu.memref_slice %arg5[%dma_start3A_19] : memref<40000xi32, #tpu.memory_space<vmem>> -> memref<800xi32, #tpu.memory_space<vmem>>
      %dma_start3A_21 = arith.constant 0 : i32
      %dma_start3A_22 = arith.constant 0 : i32
      %dma_start3A_23 = tpu.memref_slice %arg2[%dma_start3A_21, %dma_start3A_22] : memref<100000x32xbf16, #tpu.memory_space<hbm>> -> memref<100000x32xbf16, #tpu.memory_space<hbm>>
      tpu.enqueue_indirect_dma source(%dma_start3A_23 : memref<100000x32xbf16, #tpu.memory_space<hbm>>) target(%dma_start3A_18 : memref<800x32xbf16, #tpu.memory_space<vmem>>) offsets(%dma_start3A_20 : memref<800xi32, #tpu.memory_space<vmem>>) semaphore(%arg8 : memref<!tpu.dma_semaphore, #tpu.memory_space<semaphore_mem>>)
      %scan3A = arith.constant 0 : i32
      %scan3A_24 = arith.constant 0 : i32
      %scan3A_25 = arith.constant 25 : i32
      %scan3A_26 = arith.addi %scan3A_24, %scan3A_25 : i32
      %scan3A_27 = arith.constant 1 : i32
      scf.for %scan3A_29 = %scan3A_24 to %scan3A_26 step %scan3A_27  : i32 {
        %mul3A_30 = arith.constant 2 : i32
        %mul3A_31 = arith.muli %mul3A_30, %scan3A_29 : i32
        %add3A_32 = arith.constant 1 : i32
        %add3A_33 = arith.addi %mul3A_31, %add3A_32 : i32
        %mul3A_34 = arith.constant 800 : i32
        %mul3A_35 = arith.muli %mul3A_31, %mul3A_34 : i32
        %dma_wait3A = arith.constant 0 : i32
        %dma_wait3A_36 = arith.constant 0 : i32
        %dma_wait3A_37 = arith.constant 0 : i32
        %dma_wait3A_38 = tpu.memref_slice %arg6[%dma_wait3A, %dma_wait3A_36, %dma_wait3A_37] : memref<2x800x32xbf16, #tpu.memory_space<vmem>> -> memref<1x800x32xbf16, #tpu.memory_space<vmem>>
        %dma_wait3A_39 = tpu.memref_squeeze %dma_wait3A_38 : memref<1x800x32xbf16, #tpu.memory_space<vmem>> -> memref<800x32xbf16, #tpu.memory_space<vmem>>
        %dma_wait3A_40 = tpu.memref_slice %arg5[%mul3A_35] : memref<40000xi32, #tpu.memory_space<vmem>> -> memref<800xi32, #tpu.memory_space<vmem>>
        %dma_wait3A_41 = arith.constant 0 : i32
        %dma_wait3A_42 = arith.constant 0 : i32
        %dma_wait3A_43 = tpu.memref_slice %arg2[%dma_wait3A_41, %dma_wait3A_42] : memref<100000x32xbf16, #tpu.memory_space<hbm>> -> memref<100000x32xbf16, #tpu.memory_space<hbm>>
        tpu.wait_indirect_dma semaphore(%arg7 : memref<!tpu.dma_semaphore, #tpu.memory_space<semaphore_mem>>) src(%dma_wait3A_43 : memref<100000x32xbf16, #tpu.memory_space<hbm>>) dst(%dma_wait3A_39 : memref<800x32xbf16, #tpu.memory_space<vmem>>)
        %mul3A_44 = arith.constant 800 : i32
        %mul3A_45 = arith.muli %mul3A_31, %mul3A_44 : i32
        %add3A_46 = arith.addi %mul3A_4, %mul3A_45 : i32
        %dma_start3A_47 = arith.constant 0 : i32
        %dma_start3A_48 = arith.constant 0 : i32
        %dma_start3A_49 = arith.constant 0 : i32
        %dma_start3A_50 = tpu.memref_slice %arg6[%dma_start3A_47, %dma_start3A_48, %dma_start3A_49] : memref<2x800x32xbf16, #tpu.memory_space<vmem>> -> memref<1x800x32xbf16, #tpu.memory_space<vmem>>
        %dma_start3A_51 = tpu.memref_squeeze %dma_start3A_50 : memref<1x800x32xbf16, #tpu.memory_space<vmem>> -> memref<800x32xbf16, #tpu.memory_space<vmem>>
        %dma_start3A_52 = arith.constant 0 : i32
        %dma_start3A_53 = tpu.memref_slice %arg4[%add3A_46, %dma_start3A_52] : memref<1000000x32xbf16, #tpu.memory_space<hbm>> -> memref<800x32xbf16, #tpu.memory_space<hbm>>
        %dma_start3A_54 = arith.constant 0 : i32
        %dma_start3A_55 = tpu.memref_slice %arg4[%add3A_46, %dma_start3A_54] : memref<1000000x32xbf16, #tpu.memory_space<hbm>> -> memref<800x32xbf16, #tpu.memory_space<hbm>>
        %dma_start3A_56 = arith.constant 0 : i32
        %dma_start3A_57 = arith.constant 0 : i32
        %dma_start3A_58 = tpu.memref_slice %arg6[%dma_start3A_47, %dma_start3A_56, %dma_start3A_57] : memref<2x800x32xbf16, #tpu.memory_space<vmem>> -> memref<1x800x32xbf16, #tpu.memory_space<vmem>>
        %dma_start3A_59 = tpu.memref_squeeze %dma_start3A_58 : memref<1x800x32xbf16, #tpu.memory_space<vmem>> -> memref<800x32xbf16, #tpu.memory_space<vmem>>
        tpu.enqueue_dma source(%dma_start3A_59 : memref<800x32xbf16, #tpu.memory_space<vmem>>) target(%dma_start3A_55 : memref<800x32xbf16, #tpu.memory_space<hbm>>) target_semaphore(%arg9 : memref<!tpu.dma_semaphore, #tpu.memory_space<semaphore_mem>>)
        %mul3A_60 = arith.constant 800 : i32
        %mul3A_61 = arith.muli %add3A_33, %mul3A_60 : i32
        %dma_wait3A_62 = arith.constant 1 : i32
        %dma_wait3A_63 = arith.constant 0 : i32
        %dma_wait3A_64 = arith.constant 0 : i32
        %dma_wait3A_65 = tpu.memref_slice %arg6[%dma_wait3A_62, %dma_wait3A_63, %dma_wait3A_64] : memref<2x800x32xbf16, #tpu.memory_space<vmem>> -> memref<1x800x32xbf16, #tpu.memory_space<vmem>>
        %dma_wait3A_66 = tpu.memref_squeeze %dma_wait3A_65 : memref<1x800x32xbf16, #tpu.memory_space<vmem>> -> memref<800x32xbf16, #tpu.memory_space<vmem>>
        %dma_wait3A_67 = tpu.memref_slice %arg5[%mul3A_61] : memref<40000xi32, #tpu.memory_space<vmem>> -> memref<800xi32, #tpu.memory_space<vmem>>
        %dma_wait3A_68 = arith.constant 0 : i32
        %dma_wait3A_69 = arith.constant 0 : i32
        %dma_wait3A_70 = tpu.memref_slice %arg2[%dma_wait3A_68, %dma_wait3A_69] : memref<100000x32xbf16, #tpu.memory_space<hbm>> -> memref<100000x32xbf16, #tpu.memory_space<hbm>>
        tpu.wait_indirect_dma semaphore(%arg8 : memref<!tpu.dma_semaphore, #tpu.memory_space<semaphore_mem>>) src(%dma_wait3A_70 : memref<100000x32xbf16, #tpu.memory_space<hbm>>) dst(%dma_wait3A_66 : memref<800x32xbf16, #tpu.memory_space<vmem>>)
        %mul3A_71 = arith.constant 800 : i32
        %mul3A_72 = arith.muli %add3A_33, %mul3A_71 : i32
        %add3A_73 = arith.addi %mul3A_4, %mul3A_72 : i32
        %dma_start3A_74 = arith.constant 1 : i32
        %dma_start3A_75 = arith.constant 0 : i32
        %dma_start3A_76 = arith.constant 0 : i32
        %dma_start3A_77 = tpu.memref_slice %arg6[%dma_start3A_74, %dma_start3A_75, %dma_start3A_76] : memref<2x800x32xbf16, #tpu.memory_space<vmem>> -> memref<1x800x32xbf16, #tpu.memory_space<vmem>>
        %dma_start3A_78 = tpu.memref_squeeze %dma_start3A_77 : memref<1x800x32xbf16, #tpu.memory_space<vmem>> -> memref<800x32xbf16, #tpu.memory_space<vmem>>
        %dma_start3A_79 = arith.constant 0 : i32
        %dma_start3A_80 = tpu.memref_slice %arg4[%add3A_73, %dma_start3A_79] : memref<1000000x32xbf16, #tpu.memory_space<hbm>> -> memref<800x32xbf16, #tpu.memory_space<hbm>>
        %dma_start3A_81 = arith.constant 0 : i32
        %dma_start3A_82 = tpu.memref_slice %arg4[%add3A_73, %dma_start3A_81] : memref<1000000x32xbf16, #tpu.memory_space<hbm>> -> memref<800x32xbf16, #tpu.memory_space<hbm>>
        %dma_start3A_83 = arith.constant 0 : i32
        %dma_start3A_84 = arith.constant 0 : i32
        %dma_start3A_85 = tpu.memref_slice %arg6[%dma_start3A_74, %dma_start3A_83, %dma_start3A_84] : memref<2x800x32xbf16, #tpu.memory_space<vmem>> -> memref<1x800x32xbf16, #tpu.memory_space<vmem>>
        %dma_start3A_86 = tpu.memref_squeeze %dma_start3A_85 : memref<1x800x32xbf16, #tpu.memory_space<vmem>> -> memref<800x32xbf16, #tpu.memory_space<vmem>>
        tpu.enqueue_dma source(%dma_start3A_86 : memref<800x32xbf16, #tpu.memory_space<vmem>>) target(%dma_start3A_82 : memref<800x32xbf16, #tpu.memory_space<hbm>>) target_semaphore(%arg10 : memref<!tpu.dma_semaphore, #tpu.memory_space<semaphore_mem>>)
        %mul3A_87 = arith.constant 800 : i32
        %mul3A_88 = arith.muli %mul3A_31, %mul3A_87 : i32
        %add3A_89 = arith.addi %mul3A_4, %mul3A_88 : i32
        %dma_wait3A_90 = arith.constant 0 : i32
        %dma_wait3A_91 = arith.constant 0 : i32
        %dma_wait3A_92 = arith.constant 0 : i32
        %dma_wait3A_93 = tpu.memref_slice %arg6[%dma_wait3A_90, %dma_wait3A_91, %dma_wait3A_92] : memref<2x800x32xbf16, #tpu.memory_space<vmem>> -> memref<1x800x32xbf16, #tpu.memory_space<vmem>>
        %dma_wait3A_94 = tpu.memref_squeeze %dma_wait3A_93 : memref<1x800x32xbf16, #tpu.memory_space<vmem>> -> memref<800x32xbf16, #tpu.memory_space<vmem>>
        %dma_wait3A_95 = arith.constant 0 : i32
        %dma_wait3A_96 = tpu.memref_slice %arg4[%add3A_89, %dma_wait3A_95] : memref<1000000x32xbf16, #tpu.memory_space<hbm>> -> memref<800x32xbf16, #tpu.memory_space<hbm>>
        %dma_wait3A_97 = arith.constant 0 : i32
        %dma_wait3A_98 = tpu.memref_slice %arg4[%add3A_89, %dma_wait3A_97] : memref<1000000x32xbf16, #tpu.memory_space<hbm>> -> memref<800x32xbf16, #tpu.memory_space<hbm>>
        %dma_wait3A_99 = arith.constant 0 : i32
        %dma_wait3A_100 = arith.constant 0 : i32
        %dma_wait3A_101 = tpu.memref_slice %arg6[%dma_wait3A_90, %dma_wait3A_99, %dma_wait3A_100] : memref<2x800x32xbf16, #tpu.memory_space<vmem>> -> memref<1x800x32xbf16, #tpu.memory_space<vmem>>
        %dma_wait3A_102 = tpu.memref_squeeze %dma_wait3A_101 : memref<1x800x32xbf16, #tpu.memory_space<vmem>> -> memref<800x32xbf16, #tpu.memory_space<vmem>>
        tpu.wait_dma2 semaphore(%arg9 : memref<!tpu.dma_semaphore, #tpu.memory_space<semaphore_mem>>) src(%dma_wait3A_102 : memref<800x32xbf16, #tpu.memory_space<vmem>>) dst(%dma_wait3A_98 : memref<800x32xbf16, #tpu.memory_space<hbm>>)
        %add3A_103 = arith.constant 2 : i32
        %add3A_104 = arith.addi %mul3A_31, %add3A_103 : i32
        %lt3A_105 = arith.constant 50 : i32
        %lt3A_106 = arith.cmpi slt, %add3A_104, %lt3A_105 : i32
        %convert_element_type3A_107 = arith.extui %lt3A_106 : i1 to i32
        %cond3A_108 = arith.constant 0 : i32
        %cond3A_109 = arith.cmpi ne, %convert_element_type3A_107, %cond3A_108 : i32
        scf.if %cond3A_109 {
          %add3A_133 = arith.constant 2 : i32
          %add3A_134 = arith.addi %mul3A_31, %add3A_133 : i32
          %mul3A_135 = arith.constant 800 : i32
          %mul3A_136 = arith.muli %add3A_134, %mul3A_135 : i32
          %dma_start3A_137 = arith.constant 0 : i32
          %dma_start3A_138 = arith.constant 0 : i32
          %dma_start3A_139 = arith.constant 0 : i32
          %dma_start3A_140 = tpu.memref_slice %arg6[%dma_start3A_137, %dma_start3A_138, %dma_start3A_139] : memref<2x800x32xbf16, #tpu.memory_space<vmem>> -> memref<1x800x32xbf16, #tpu.memory_space<vmem>>
          %dma_start3A_141 = tpu.memref_squeeze %dma_start3A_140 : memref<1x800x32xbf16, #tpu.memory_space<vmem>> -> memref<800x32xbf16, #tpu.memory_space<vmem>>
          %dma_start3A_142 = tpu.memref_slice %arg5[%mul3A_136] : memref<40000xi32, #tpu.memory_space<vmem>> -> memref<800xi32, #tpu.memory_space<vmem>>
          %dma_start3A_143 = arith.constant 0 : i32
          %dma_start3A_144 = arith.constant 0 : i32
          %dma_start3A_145 = tpu.memref_slice %arg2[%dma_start3A_143, %dma_start3A_144] : memref<100000x32xbf16, #tpu.memory_space<hbm>> -> memref<100000x32xbf16, #tpu.memory_space<hbm>>
          tpu.enqueue_indirect_dma source(%dma_start3A_145 : memref<100000x32xbf16, #tpu.memory_space<hbm>>) target(%dma_start3A_141 : memref<800x32xbf16, #tpu.memory_space<vmem>>) offsets(%dma_start3A_142 : memref<800xi32, #tpu.memory_space<vmem>>) semaphore(%arg7 : memref<!tpu.dma_semaphore, #tpu.memory_space<semaphore_mem>>)
        } else {
        }
        %mul3A_110 = arith.constant 800 : i32
        %mul3A_111 = arith.muli %add3A_33, %mul3A_110 : i32
        %add3A_112 = arith.addi %mul3A_4, %mul3A_111 : i32
        %dma_wait3A_113 = arith.constant 1 : i32
        %dma_wait3A_114 = arith.constant 0 : i32
        %dma_wait3A_115 = arith.constant 0 : i32
        %dma_wait3A_116 = tpu.memref_slice %arg6[%dma_wait3A_113, %dma_wait3A_114, %dma_wait3A_115] : memref<2x800x32xbf16, #tpu.memory_space<vmem>> -> memref<1x800x32xbf16, #tpu.memory_space<vmem>>
        %dma_wait3A_117 = tpu.memref_squeeze %dma_wait3A_116 : memref<1x800x32xbf16, #tpu.memory_space<vmem>> -> memref<800x32xbf16, #tpu.memory_space<vmem>>
        %dma_wait3A_118 = arith.constant 0 : i32
        %dma_wait3A_119 = tpu.memref_slice %arg4[%add3A_112, %dma_wait3A_118] : memref<1000000x32xbf16, #tpu.memory_space<hbm>> -> memref<800x32xbf16, #tpu.memory_space<hbm>>
        %dma_wait3A_120 = arith.constant 0 : i32
        %dma_wait3A_121 = tpu.memref_slice %arg4[%add3A_112, %dma_wait3A_120] : memref<1000000x32xbf16, #tpu.memory_space<hbm>> -> memref<800x32xbf16, #tpu.memory_space<hbm>>
        %dma_wait3A_122 = arith.constant 0 : i32
        %dma_wait3A_123 = arith.constant 0 : i32
        %dma_wait3A_124 = tpu.memref_slice %arg6[%dma_wait3A_113, %dma_wait3A_122, %dma_wait3A_123] : memref<2x800x32xbf16, #tpu.memory_space<vmem>> -> memref<1x800x32xbf16, #tpu.memory_space<vmem>>
        %dma_wait3A_125 = tpu.memref_squeeze %dma_wait3A_124 : memref<1x800x32xbf16, #tpu.memory_space<vmem>> -> memref<800x32xbf16, #tpu.memory_space<vmem>>
        tpu.wait_dma2 semaphore(%arg10 : memref<!tpu.dma_semaphore, #tpu.memory_space<semaphore_mem>>) src(%dma_wait3A_125 : memref<800x32xbf16, #tpu.memory_space<vmem>>) dst(%dma_wait3A_121 : memref<800x32xbf16, #tpu.memory_space<hbm>>)
        %add3A_126 = arith.constant 2 : i32
        %add3A_127 = arith.addi %add3A_33, %add3A_126 : i32
        %lt3A_128 = arith.constant 50 : i32
        %lt3A_129 = arith.cmpi slt, %add3A_127, %lt3A_128 : i32
        %convert_element_type3A_130 = arith.extui %lt3A_129 : i1 to i32
        %cond3A_131 = arith.constant 0 : i32
        %cond3A_132 = arith.cmpi ne, %convert_element_type3A_130, %cond3A_131 : i32
        scf.if %cond3A_132 {
          %add3A_133 = arith.constant 2 : i32
          %add3A_134 = arith.addi %add3A_33, %add3A_133 : i32
          %mul3A_135 = arith.constant 800 : i32
          %mul3A_136 = arith.muli %add3A_134, %mul3A_135 : i32
          %dma_start3A_137 = arith.constant 1 : i32
          %dma_start3A_138 = arith.constant 0 : i32
          %dma_start3A_139 = arith.constant 0 : i32
          %dma_start3A_140 = tpu.memref_slice %arg6[%dma_start3A_137, %dma_start3A_138, %dma_start3A_139] : memref<2x800x32xbf16, #tpu.memory_space<vmem>> -> memref<1x800x32xbf16, #tpu.memory_space<vmem>>
          %dma_start3A_141 = tpu.memref_squeeze %dma_start3A_140 : memref<1x800x32xbf16, #tpu.memory_space<vmem>> -> memref<800x32xbf16, #tpu.memory_space<vmem>>
          %dma_start3A_142 = tpu.memref_slice %arg5[%mul3A_136] : memref<40000xi32, #tpu.memory_space<vmem>> -> memref<800xi32, #tpu.memory_space<vmem>>
          %dma_start3A_143 = arith.constant 0 : i32
          %dma_start3A_144 = arith.constant 0 : i32
          %dma_start3A_145 = tpu.memref_slice %arg2[%dma_start3A_143, %dma_start3A_144] : memref<100000x32xbf16, #tpu.memory_space<hbm>> -> memref<100000x32xbf16, #tpu.memory_space<hbm>>
          tpu.enqueue_indirect_dma source(%dma_start3A_145 : memref<100000x32xbf16, #tpu.memory_space<hbm>>) target(%dma_start3A_141 : memref<800x32xbf16, #tpu.memory_space<vmem>>) offsets(%dma_start3A_142 : memref<800xi32, #tpu.memory_space<vmem>>) semaphore(%arg8 : memref<!tpu.dma_semaphore, #tpu.memory_space<semaphore_mem>>)
        } else {
        }
      }
      %scan3A_28 = arith.constant 25 : i32
    } else {
    }
    return
  }
}

module attributes {stable_mosaic.version = 14 : i64} {
  func.func @_nb_body(%arg0: i32, %arg1: memref<2000x9xi32, #tpu.memory_space<vmem>>, %arg2: memref<2000x9xf32, #tpu.memory_space<vmem>>, %arg3: memref<2000x10xi32, #tpu.memory_space<vmem>>, %arg4: memref<1x3xf32, #tpu.memory_space<vmem>>, %arg5: memref<1x3xf32, #tpu.memory_space<vmem>>) attributes {dimension_semantics = [#tpu.dimension_semantics<arbitrary>], iteration_bounds = array<i64: 50>, scalar_prefetch = 0 : i64, scratch_operands = 1 : i64, tpu.core_type = #tpu.core_type<tc>, window_params = [{transform_indices = @transform_0, window_bounds = array<i64: 2000, 9>}, {transform_indices = @transform_1, window_bounds = array<i64: 2000, 9>}, {transform_indices = @transform_2, window_bounds = array<i64: 2000, 10>}, {pipeline_mode = #tpu.pipeline_mode<synchronous>, transform_indices = @transform_3, window_bounds = array<i64: 1, 3>}]} {
    %get3A = arith.constant 0 : index
    %get3A_0 = arith.constant 0 : index
    %get3A_1 = vector.load %arg1[%get3A, %get3A_0] : memref<2000x9xi32, #tpu.memory_space<vmem>>, vector<2000x9xi32>
    %iota3A = tpu.iota {dimensions = array<i32: 0>} : vector<2000x9xi32>
    %mul3A = arith.constant 2000 : i32
    %mul3A_2 = arith.muli %arg0, %mul3A : i32
    %add3A = vector.broadcast %mul3A_2 : i32 to vector<2000x9xi32>
    %add3A_3 = arith.addi %iota3A, %add3A : vector<2000x9xi32>
    %iota3A_4 = tpu.iota {dimensions = array<i32: 0>} : vector<2000x1xi32>
    %mul3A_5 = arith.constant 2000 : i32
    %mul3A_6 = arith.muli %arg0, %mul3A_5 : i32
    %add3A_7 = vector.broadcast %mul3A_6 : i32 to vector<2000x1xi32>
    %add3A_8 = arith.addi %iota3A_4, %add3A_7 : vector<2000x1xi32>
    %eq3A = arith.constant 0 : i32
    %eq3A_9 = vector.broadcast %eq3A : i32 to vector<2000x9xi32>
    %eq3A_10 = arith.cmpi eq, %get3A_1, %eq3A_9 : vector<2000x9xi32>
    %select_n3A = arith.select %eq3A_10, %add3A_3, %get3A_1 : vector<2000x9xi1>, vector<2000x9xi32>
    %concatenate3A = tpu.concatenate %select_n3A, %add3A_8 in 1 : vector<2000x9xi32>, vector<2000x1xi32> -> vector<2000x10xi32>
    %swap3A = arith.constant 0 : index
    %swap3A_11 = arith.constant 0 : index
    %swap3A_12 = vector.load %arg3[%swap3A, %swap3A_11] : memref<2000x10xi32, #tpu.memory_space<vmem>>, vector<2000x10xi32>
    tpu.vector_store %arg3[%swap3A, %swap3A_11], %concatenate3A {strides = array<i32>} : memref<2000x10xi32, #tpu.memory_space<vmem>>, vector<2000x10xi32>,
    %eq3A_13 = arith.constant 0 : i32
    %eq3A_14 = arith.cmpi eq, %arg0, %eq3A_13 : i32
    %convert_element_type3A = arith.extui %eq3A_14 : i1 to i32
    %cond3A = arith.constant 0 : i32
    %cond3A_15 = arith.cmpi ne, %convert_element_type3A, %cond3A : i32
    scf.if %cond3A_15 {
      %broadcast_in_dim3A_34 = arith.constant 0.000000e+00 : f32
      %broadcast_in_dim3A_35 = vector.broadcast %broadcast_in_dim3A_34 : f32 to vector<1x3xf32>
      %swap3A_36 = arith.constant 0 : index
      %swap3A_37 = arith.constant 0 : index
      %swap3A_38 = vector.load %arg5[%swap3A_36, %swap3A_37] : memref<1x3xf32, #tpu.memory_space<vmem>>, vector<1x3xf32>
      tpu.vector_store %arg5[%swap3A_36, %swap3A_37], %broadcast_in_dim3A_35 {strides = array<i32>} : memref<1x3xf32, #tpu.memory_space<vmem>>, vector<1x3xf32>,
    } else {
    }
    %get3A_16 = arith.constant 0 : index
    %get3A_17 = arith.constant 0 : index
    %get3A_18 = vector.load %arg2[%get3A_16, %get3A_17] : memref<2000x9xf32, #tpu.memory_space<vmem>>, vector<2000x3xf32>
    %get3A_19 = arith.constant 0 : index
    %get3A_20 = arith.constant 0 : index
    %get3A_21 = vector.load %arg5[%get3A_19, %get3A_20] : memref<1x3xf32, #tpu.memory_space<vmem>>, vector<1x3xf32>
    %mul3A_22 = arith.mulf %get3A_18, %get3A_18 : vector<2000x3xf32>
    %reduce_sum3A = arith.constant dense<0.000000e+00> : vector<3xf32>
    %reduce_sum3A_23 = vector.multi_reduction <add>, %mul3A_22, %reduce_sum3A [0] : vector<2000x3xf32> to vector<3xf32>
    %broadcast_in_dim3A = vector.shape_cast %reduce_sum3A_23 : vector<3xf32> to vector<1x3xf32>
    %add3A_24 = arith.addf %get3A_21, %broadcast_in_dim3A : vector<1x3xf32>
    %swap3A_25 = arith.constant 0 : index
    %swap3A_26 = arith.constant 0 : index
    %swap3A_27 = vector.load %arg5[%swap3A_25, %swap3A_26] : memref<1x3xf32, #tpu.memory_space<vmem>>, vector<1x3xf32>
    tpu.vector_store %arg5[%swap3A_25, %swap3A_26], %add3A_24 {strides = array<i32>} : memref<1x3xf32, #tpu.memory_space<vmem>>, vector<1x3xf32>,
    %get3A_28 = arith.constant 0 : index
    %get3A_29 = arith.constant 0 : index
    %get3A_30 = vector.load %arg5[%get3A_28, %get3A_29] : memref<1x3xf32, #tpu.memory_space<vmem>>, vector<1x3xf32>
    %swap3A_31 = arith.constant 0 : index
    %swap3A_32 = arith.constant 0 : index
    %swap3A_33 = vector.load %arg4[%swap3A_31, %swap3A_32] : memref<1x3xf32, #tpu.memory_space<vmem>>, vector<1x3xf32>
    tpu.vector_store %arg4[%swap3A_31, %swap3A_32], %get3A_30 {strides = array<i32>} : memref<1x3xf32, #tpu.memory_space<vmem>>, vector<1x3xf32>,
    return
  }
  func.func @transform_0(%arg0: i32) -> (i32, i32) {
    %c0_i32 = arith.constant 0 : i32
    %c0_i32_0 = arith.constant 0 : i32
    return %arg0, %c0_i32 : i32, i32
  }
  func.func @transform_1(%arg0: i32) -> (i32, i32) {
    %c0_i32 = arith.constant 0 : i32
    %c0_i32_0 = arith.constant 0 : i32
    return %arg0, %c0_i32 : i32, i32
  }
  func.func @transform_2(%arg0: i32) -> (i32, i32) {
    %c0_i32 = arith.constant 0 : i32
    %c0_i32_0 = arith.constant 0 : i32
    return %arg0, %c0_i32 : i32, i32
  }
  func.func @transform_3(%arg0: i32) -> (i32, i32) {
    %c0_i32 = arith.constant 0 : i32
    %c0_i32_0 = arith.constant 0 : i32
    %c0_i32_1 = arith.constant 0 : i32
    return %c0_i32, %c0_i32_0 : i32, i32
  }
}

module attributes {stable_mosaic.version = 14 : i64} {
  func.func @_prep_body(%arg0: i32, %arg1: memref<2000x9xf32, #tpu.memory_space<vmem>>, %arg2: memref<1x3xf32, #tpu.memory_space<vmem>>, %arg3: memref<6x12xf32, #tpu.memory_space<vmem>>, %arg4: memref<1x12xf32, #tpu.memory_space<vmem>>, %arg5: memref<12x12xf32, #tpu.memory_space<vmem>>, %arg6: memref<1x12xf32, #tpu.memory_space<vmem>>, %arg7: memref<2000x6xf32, #tpu.memory_space<vmem>>, %arg8: memref<2000x32xbf16, #tpu.memory_space<vmem>>) attributes {dimension_semantics = [#tpu.dimension_semantics<arbitrary>], iteration_bounds = array<i64: 50>, scalar_prefetch = 0 : i64, scratch_operands = 0 : i64, tpu.core_type = #tpu.core_type<tc>, window_params = [{transform_indices = @transform_0, window_bounds = array<i64: 2000, 9>}, {pipeline_mode = #tpu.pipeline_mode<synchronous>, transform_indices = @transform_1, window_bounds = array<i64: 1, 3>}, {pipeline_mode = #tpu.pipeline_mode<synchronous>, transform_indices = @transform_2, window_bounds = array<i64: 6, 12>}, {pipeline_mode = #tpu.pipeline_mode<synchronous>, transform_indices = @transform_3, window_bounds = array<i64: 1, 12>}, {pipeline_mode = #tpu.pipeline_mode<synchronous>, transform_indices = @transform_4, window_bounds = array<i64: 12, 12>}, {pipeline_mode = #tpu.pipeline_mode<synchronous>, transform_indices = @transform_5, window_bounds = array<i64: 1, 12>}, {transform_indices = @transform_6, window_bounds = array<i64: 2000, 6>}, {transform_indices = @transform_7, window_bounds = array<i64: 2000, 32>}]} {
    %get3A = arith.constant 0 : index
    %get3A_0 = arith.constant 0 : index
    %get3A_1 = vector.load %arg1[%get3A, %get3A_0] : memref<2000x9xf32, #tpu.memory_space<vmem>>, vector<2000x9xf32>
    %get3A_2 = arith.constant 0 : index
    %get3A_3 = arith.constant 0 : index
    %get3A_4 = vector.load %arg2[%get3A_2, %get3A_3] : memref<1x3xf32, #tpu.memory_space<vmem>>, vector<1x3xf32>
    %sqrt3A = math.sqrt %get3A_4 : vector<1x3xf32>
    %max3A = arith.constant 9.99999996E-13 : f32
    %max3A_5 = vector.broadcast %max3A : f32 to vector<1x3xf32>
    %max3A_6 = arith.maximumf %sqrt3A, %max3A_5 : vector<1x3xf32>
    %slice3A = vector.extract_strided_slice %get3A_1 {offsets = [0, 0], sizes = [2000, 3], strides = [1, 1]} : vector<2000x9xf32> to vector<2000x3xf32>
    %div3A = vector.broadcast %max3A_6 : vector<1x3xf32> to vector<2000x3xf32>
    %div3A_7 = arith.divf %slice3A, %div3A : vector<2000x3xf32>
    %slice3A_8 = vector.extract_strided_slice %get3A_1 {offsets = [0, 3], sizes = [2000, 3], strides = [1, 1]} : vector<2000x9xf32> to vector<2000x3xf32>
    %mul3A = arith.constant 0.00392156886 : f32
    %mul3A_9 = vector.broadcast %mul3A : f32 to vector<2000x3xf32>
    %mul3A_10 = arith.mulf %slice3A_8, %mul3A_9 : vector<2000x3xf32>
    %concatenate3A = tpu.concatenate %div3A_7, %mul3A_10 in 1 : vector<2000x3xf32>, vector<2000x3xf32> -> vector<2000x6xf32>
    %swap3A = arith.constant 0 : index
    %swap3A_11 = arith.constant 0 : index
    %swap3A_12 = vector.load %arg7[%swap3A, %swap3A_11] : memref<2000x6xf32, #tpu.memory_space<vmem>>, vector<2000x6xf32>
    tpu.vector_store %arg7[%swap3A, %swap3A_11], %concatenate3A {strides = array<i32>} : memref<2000x6xf32, #tpu.memory_space<vmem>>, vector<2000x6xf32>,
    %get3A_13 = arith.constant 0 : index
    %get3A_14 = arith.constant 0 : index
    %get3A_15 = vector.load %arg3[%get3A_13, %get3A_14] : memref<6x12xf32, #tpu.memory_space<vmem>>, vector<6x12xf32>
    %dot_general3A = arith.constant dense<0.000000e+00> : vector<2000x12xf32>
    %dot_general3A_16 = tpu.matmul %concatenate3A, %get3A_15, %dot_general3A {dimension_numbers = #tpu.dot_dimension_numbers<[1], [0], [0], [1], [0, 0, 1, 1], [], []>, transpose_lhs_hint = false} : vector<2000x6xf32>, vector<6x12xf32>, vector<2000x12xf32> -> vector<2000x12xf32>
    %get3A_17 = arith.constant 0 : index
    %get3A_18 = arith.constant 0 : index
    %get3A_19 = vector.load %arg4[%get3A_17, %get3A_18] : memref<1x12xf32, #tpu.memory_space<vmem>>, vector<1x12xf32>
    %add3A = vector.broadcast %get3A_19 : vector<1x12xf32> to vector<2000x12xf32>
    %add3A_20 = arith.addf %dot_general3A_16, %add3A : vector<2000x12xf32>
    %max3A_21 = arith.constant 0.000000e+00 : f32
    %max3A_22 = vector.broadcast %max3A_21 : f32 to vector<2000x12xf32>
    %max3A_23 = arith.maximumf %add3A_20, %max3A_22 : vector<2000x12xf32>
    %get3A_24 = arith.constant 0 : index
    %get3A_25 = arith.constant 0 : index
    %get3A_26 = vector.load %arg5[%get3A_24, %get3A_25] : memref<12x12xf32, #tpu.memory_space<vmem>>, vector<12x12xf32>
    %dot_general3A_27 = arith.constant dense<0.000000e+00> : vector<2000x12xf32>
    %dot_general3A_28 = tpu.matmul %max3A_23, %get3A_26, %dot_general3A_27 {dimension_numbers = #tpu.dot_dimension_numbers<[1], [0], [0], [1], [0, 0, 1, 1], [], []>, transpose_lhs_hint = false} : vector<2000x12xf32>, vector<12x12xf32>, vector<2000x12xf32> -> vector<2000x12xf32>
    %get3A_29 = arith.constant 0 : index
    %get3A_30 = arith.constant 0 : index
    %get3A_31 = vector.load %arg6[%get3A_29, %get3A_30] : memref<1x12xf32, #tpu.memory_space<vmem>>, vector<1x12xf32>
    %add3A_32 = vector.broadcast %get3A_31 : vector<1x12xf32> to vector<2000x12xf32>
    %add3A_33 = arith.addf %dot_general3A_28, %add3A_32 : vector<2000x12xf32>
    %slice3A_34 = vector.extract_strided_slice %get3A_1 {offsets = [0, 0], sizes = [2000, 3], strides = [1, 1]} : vector<2000x9xf32> to vector<2000x3xf32>
    %slice3A_35 = vector.extract_strided_slice %get3A_1 {offsets = [0, 6], sizes = [2000, 3], strides = [1, 1]} : vector<2000x9xf32> to vector<2000x3xf32>
    %concatenate3A_36 = tpu.concatenate %slice3A_34, %slice3A_35 in 1 : vector<2000x3xf32>, vector<2000x3xf32> -> vector<2000x6xf32>
    %broadcast_in_dim3A = arith.constant 0.000000e+00 : f32
    %broadcast_in_dim3A_37 = vector.broadcast %broadcast_in_dim3A : f32 to vector<2000x14xf32>
    %concatenate3A_38 = tpu.concatenate %concatenate3A_36, %add3A_33, %broadcast_in_dim3A_37 in 1 : vector<2000x6xf32>, vector<2000x12xf32>, vector<2000x14xf32> -> vector<2000x32xf32>
    %convert_element_type3A = arith.truncf %concatenate3A_38 : vector<2000x32xf32> to vector<2000x32xbf16>
    %swap3A_39 = arith.constant 0 : index
    %swap3A_40 = arith.constant 0 : index
    %swap3A_41 = vector.load %arg8[%swap3A_39, %swap3A_40] : memref<2000x32xbf16, #tpu.memory_space<vmem>>, vector<2000x32xbf16>
    tpu.vector_store %arg8[%swap3A_39, %swap3A_40], %convert_element_type3A {strides = array<i32>} : memref<2000x32xbf16, #tpu.memory_space<vmem>>, vector<2000x32xbf16>,
    return
  }
  func.func @transform_0(%arg0: i32) -> (i32, i32) {
    %c0_i32 = arith.constant 0 : i32
    %c0_i32_0 = arith.constant 0 : i32
    return %arg0, %c0_i32 : i32, i32
  }
  func.func @transform_1(%arg0: i32) -> (i32, i32) {
    %c0_i32 = arith.constant 0 : i32
    %c0_i32_0 = arith.constant 0 : i32
    %c0_i32_1 = arith.constant 0 : i32
    return %c0_i32, %c0_i32_0 : i32, i32
  }
  func.func @transform_2(%arg0: i32) -> (i32, i32) {
    %c0_i32 = arith.constant 0 : i32
    %c0_i32_0 = arith.constant 0 : i32
    %c0_i32_1 = arith.constant 0 : i32
    return %c0_i32, %c0_i32_0 : i32, i32
  }
  func.func @transform_3(%arg0: i32) -> (i32, i32) {
    %c0_i32 = arith.constant 0 : i32
    %c0_i32_0 = arith.constant 0 : i32
    %c0_i32_1 = arith.constant 0 : i32
    return %c0_i32, %c0_i32_0 : i32, i32
  }
  func.func @transform_4(%arg0: i32) -> (i32, i32) {
    %c0_i32 = arith.constant 0 : i32
    %c0_i32_0 = arith.constant 0 : i32
    %c0_i32_1 = arith.constant 0 : i32
    return %c0_i32, %c0_i32_0 : i32, i32
  }
  func.func @transform_5(%arg0: i32) -> (i32, i32) {
    %c0_i32 = arith.constant 0 : i32
    %c0_i32_0 = arith.constant 0 : i32
    %c0_i32_1 = arith.constant 0 : i32
    return %c0_i32, %c0_i32_0 : i32, i32
  }
  func.func @transform_6(%arg0: i32) -> (i32, i32) {
    %c0_i32 = arith.constant 0 : i32
    %c0_i32_0 = arith.constant 0 : i32
    return %arg0, %c0_i32 : i32, i32
  }
  func.func @transform_7(%arg0: i32) -> (i32, i32) {
    %c0_i32 = arith.constant 0 : i32
    %c0_i32_0 = arith.constant 0 : i32
    return %arg0, %c0_i32 : i32, i32
  }
}

module attributes {stable_mosaic.version = 14 : i64} {
  func.func @body(%arg0: i32, %arg1: memref<2000x320xbf16, #tpu.memory_space<vmem>>, %arg2: memref<288x108xf32, #tpu.memory_space<vmem>>, %arg3: memref<1x108xf32, #tpu.memory_space<vmem>>, %arg4: memref<108x108xf32, #tpu.memory_space<vmem>>, %arg5: memref<1x108xf32, #tpu.memory_space<vmem>>, %arg6: memref<6x12xf32, #tpu.memory_space<vmem>>, %arg7: memref<108x12xf32, #tpu.memory_space<vmem>>, %arg8: memref<1x12xf32, #tpu.memory_space<vmem>>, %arg9: memref<12x12xf32, #tpu.memory_space<vmem>>, %arg10: memref<1x12xf32, #tpu.memory_space<vmem>>, %arg11: memref<12x24xf32, #tpu.memory_space<vmem>>, %arg12: memref<1x24xf32, #tpu.memory_space<vmem>>, %arg13: memref<24x24xf32, #tpu.memory_space<vmem>>, %arg14: memref<1x24xf32, #tpu.memory_space<vmem>>, %arg15: memref<2000x12xf32, #tpu.memory_space<vmem>>, %arg16: memref<2000x32xbf16, #tpu.memory_space<vmem>>) attributes {dimension_semantics = [#tpu.dimension_semantics<arbitrary>], iteration_bounds = array<i64: 50>, scalar_prefetch = 0 : i64, scratch_operands = 0 : i64, tpu.core_type = #tpu.core_type<tc>, window_params = [{transform_indices = @transform_0, window_bounds = array<i64: 2000, 320>}, {pipeline_mode = #tpu.pipeline_mode<synchronous>, transform_indices = @transform_1, window_bounds = array<i64: 288, 108>}, {pipeline_mode = #tpu.pipeline_mode<synchronous>, transform_indices = @transform_2, window_bounds = array<i64: 1, 108>}, {pipeline_mode = #tpu.pipeline_mode<synchronous>, transform_indices = @transform_3, window_bounds = array<i64: 108, 108>}, {pipeline_mode = #tpu.pipeline_mode<synchronous>, transform_indices = @transform_4, window_bounds = array<i64: 1, 108>}, {pipeline_mode = #tpu.pipeline_mode<synchronous>, transform_indices = @transform_5, window_bounds = array<i64: 6, 12>}, {pipeline_mode = #tpu.pipeline_mode<synchronous>, transform_indices = @transform_6, window_bounds = array<i64: 108, 12>}, {pipeline_mode = #tpu.pipeline_mode<synchronous>, transform_indices = @transform_7, window_bounds = array<i64: 1, 12>}, {pipeline_mode = #tpu.pipeline_mode<synchronous>, transform_indices = @transform_8, window_bounds = array<i64: 12, 12>}, {pipeline_mode = #tpu.pipeline_mode<synchronous>, transform_indices = @transform_9, window_bounds = array<i64: 1, 12>}, {pipeline_mode = #tpu.pipeline_mode<synchronous>, transform_indices = @transform_10, window_bounds = array<i64: 12, 24>}, {pipeline_mode = #tpu.pipeline_mode<synchronous>, transform_indices = @transform_11, window_bounds = array<i64: 1, 24>}, {pipeline_mode = #tpu.pipeline_mode<synchronous>, transform_indices = @transform_12, window_bounds = array<i64: 24, 24>}, {pipeline_mode = #tpu.pipeline_mode<synchronous>, transform_indices = @transform_13, window_bounds = array<i64: 1, 24>}, {transform_indices = @transform_14, window_bounds = array<i64: 2000, 12>}, {transform_indices = @transform_15, window_bounds = array<i64: 2000, 32>}]} {
    %get3A = arith.constant 0 : index
    %get3A_0 = arith.constant 0 : index
    %get3A_1 = vector.load %arg1[%get3A, %get3A_0] : memref<2000x320xbf16, #tpu.memory_space<vmem>>, vector<2000x320xbf16>
    %convert_element_type3A = arith.extf %get3A_1 : vector<2000x320xbf16> to vector<2000x320xf32>
    %slice3A = vector.extract_strided_slice %convert_element_type3A {offsets = [0, 288], sizes = [2000, 6], strides = [1, 1]} : vector<2000x320xf32> to vector<2000x6xf32>
    %get3A_2 = arith.constant 0 : index
    %get3A_3 = arith.constant 0 : index
    %get3A_4 = vector.load %arg6[%get3A_2, %get3A_3] : memref<6x12xf32, #tpu.memory_space<vmem>>, vector<6x12xf32>
    %dot_general3A = arith.constant dense<0.000000e+00> : vector<2000x12xf32>
    %dot_general3A_5 = tpu.matmul %slice3A, %get3A_4, %dot_general3A {dimension_numbers = #tpu.dot_dimension_numbers<[1], [0], [0], [1], [0, 0, 1, 1], [], []>, transpose_lhs_hint = false} : vector<2000x6xf32>, vector<6x12xf32>, vector<2000x12xf32> -> vector<2000x12xf32>
    %concatenate3A = tpu.concatenate %dot_general3A_5, %dot_general3A_5, %dot_general3A_5, %dot_general3A_5, %dot_general3A_5, %dot_general3A_5, %dot_general3A_5, %dot_general3A_5, %dot_general3A_5 in 1 : vector<2000x12xf32>, vector<2000x12xf32>, vector<2000x12xf32>, vector<2000x12xf32>, vector<2000x12xf32>, vector<2000x12xf32>, vector<2000x12xf32>, vector<2000x12xf32>, vector<2000x12xf32> -> vector<2000x108xf32>
    %slice3A_6 = vector.extract_strided_slice %convert_element_type3A {offsets = [0, 0], sizes = [2000, 288], strides = [1, 1]} : vector<2000x320xf32> to vector<2000x288xf32>
    %get3A_7 = arith.constant 0 : index
    %get3A_8 = arith.constant 0 : index
    %get3A_9 = vector.load %arg2[%get3A_7, %get3A_8] : memref<288x108xf32, #tpu.memory_space<vmem>>, vector<288x108xf32>
    %dot_general3A_10 = arith.constant dense<0.000000e+00> : vector<2000x108xf32>
    %dot_general3A_11 = tpu.matmul %slice3A_6, %get3A_9, %dot_general3A_10 {dimension_numbers = #tpu.dot_dimension_numbers<[1], [0], [0], [1], [0, 0, 1, 1], [], []>, transpose_lhs_hint = false} : vector<2000x288xf32>, vector<288x108xf32>, vector<2000x108xf32> -> vector<2000x108xf32>
    %get3A_12 = arith.constant 0 : index
    %get3A_13 = arith.constant 0 : index
    %get3A_14 = vector.load %arg3[%get3A_12, %get3A_13] : memref<1x108xf32, #tpu.memory_space<vmem>>, vector<1x108xf32>
    %add3A = vector.broadcast %get3A_14 : vector<1x108xf32> to vector<2000x108xf32>
    %add3A_15 = arith.addf %dot_general3A_11, %add3A : vector<2000x108xf32>
    %sub3A = arith.subf %add3A_15, %concatenate3A : vector<2000x108xf32>
    %max3A = arith.constant 0.000000e+00 : f32
    %max3A_16 = vector.broadcast %max3A : f32 to vector<2000x108xf32>
    %max3A_17 = arith.maximumf %sub3A, %max3A_16 : vector<2000x108xf32>
    %get3A_18 = arith.constant 0 : index
    %get3A_19 = arith.constant 0 : index
    %get3A_20 = vector.load %arg4[%get3A_18, %get3A_19] : memref<108x108xf32, #tpu.memory_space<vmem>>, vector<108x108xf32>
    %dot_general3A_21 = arith.constant dense<0.000000e+00> : vector<2000x108xf32>
    %dot_general3A_22 = tpu.matmul %max3A_17, %get3A_20, %dot_general3A_21 {dimension_numbers = #tpu.dot_dimension_numbers<[1], [0], [0], [1], [0, 0, 1, 1], [], []>, transpose_lhs_hint = false} : vector<2000x108xf32>, vector<108x108xf32>, vector<2000x108xf32> -> vector<2000x108xf32>
    %get3A_23 = arith.constant 0 : index
    %get3A_24 = arith.constant 0 : index
    %get3A_25 = vector.load %arg5[%get3A_23, %get3A_24] : memref<1x108xf32, #tpu.memory_space<vmem>>, vector<1x108xf32>
    %add3A_26 = vector.broadcast %get3A_25 : vector<1x108xf32> to vector<2000x108xf32>
    %add3A_27 = arith.addf %dot_general3A_22, %add3A_26 : vector<2000x108xf32>
    %slice3A_28 = vector.extract_strided_slice %convert_element_type3A {offsets = [0, 6], sizes = [2000, 12], strides = [1, 1]} : vector<2000x320xf32> to vector<2000x12xf32>
    %slice3A_29 = vector.extract_strided_slice %convert_element_type3A {offsets = [0, 38], sizes = [2000, 12], strides = [1, 1]} : vector<2000x320xf32> to vector<2000x12xf32>
    %slice3A_30 = vector.extract_strided_slice %convert_element_type3A {offsets = [0, 70], sizes = [2000, 12], strides = [1, 1]} : vector<2000x320xf32> to vector<2000x12xf32>
    %slice3A_31 = vector.extract_strided_slice %convert_element_type3A {offsets = [0, 102], sizes = [2000, 12], strides = [1, 1]} : vector<2000x320xf32> to vector<2000x12xf32>
    %slice3A_32 = vector.extract_strided_slice %convert_element_type3A {offsets = [0, 134], sizes = [2000, 12], strides = [1, 1]} : vector<2000x320xf32> to vector<2000x12xf32>
    %slice3A_33 = vector.extract_strided_slice %convert_element_type3A {offsets = [0, 166], sizes = [2000, 12], strides = [1, 1]} : vector<2000x320xf32> to vector<2000x12xf32>
    %slice3A_34 = vector.extract_strided_slice %convert_element_type3A {offsets = [0, 198], sizes = [2000, 12], strides = [1, 1]} : vector<2000x320xf32> to vector<2000x12xf32>
    %slice3A_35 = vector.extract_strided_slice %convert_element_type3A {offsets = [0, 230], sizes = [2000, 12], strides = [1, 1]} : vector<2000x320xf32> to vector<2000x12xf32>
    %slice3A_36 = vector.extract_strided_slice %convert_element_type3A {offsets = [0, 262], sizes = [2000, 12], strides = [1, 1]} : vector<2000x320xf32> to vector<2000x12xf32>
    %concatenate3A_37 = tpu.concatenate %slice3A_28, %slice3A_29, %slice3A_30, %slice3A_31, %slice3A_32, %slice3A_33, %slice3A_34, %slice3A_35, %slice3A_36 in 1 : vector<2000x12xf32>, vector<2000x12xf32>, vector<2000x12xf32>, vector<2000x12xf32>, vector<2000x12xf32>, vector<2000x12xf32>, vector<2000x12xf32>, vector<2000x12xf32>, vector<2000x12xf32> -> vector<2000x108xf32>
    %mul3A = arith.mulf %add3A_27, %concatenate3A_37 : vector<2000x108xf32>
    %get3A_38 = arith.constant 0 : index
    %get3A_39 = arith.constant 0 : index
    %get3A_40 = vector.load %arg7[%get3A_38, %get3A_39] : memref<108x12xf32, #tpu.memory_space<vmem>>, vector<108x12xf32>
    %dot_general3A_41 = arith.constant dense<0.000000e+00> : vector<2000x12xf32>
    %dot_general3A_42 = tpu.matmul %mul3A, %get3A_40, %dot_general3A_41 {dimension_numbers = #tpu.dot_dimension_numbers<[1], [0], [0], [1], [0, 0, 1, 1], [], []>, transpose_lhs_hint = false} : vector<2000x108xf32>, vector<108x12xf32>, vector<2000x12xf32> -> vector<2000x12xf32>
    %get3A_43 = arith.constant 0 : index
    %get3A_44 = arith.constant 0 : index
    %get3A_45 = vector.load %arg8[%get3A_43, %get3A_44] : memref<1x12xf32, #tpu.memory_space<vmem>>, vector<1x12xf32>
    %add3A_46 = vector.broadcast %get3A_45 : vector<1x12xf32> to vector<2000x12xf32>
    %add3A_47 = arith.addf %dot_general3A_42, %add3A_46 : vector<2000x12xf32>
    %max3A_48 = arith.constant 0.000000e+00 : f32
    %max3A_49 = vector.broadcast %max3A_48 : f32 to vector<2000x12xf32>
    %max3A_50 = arith.maximumf %add3A_47, %max3A_49 : vector<2000x12xf32>
    %get3A_51 = arith.constant 0 : index
    %get3A_52 = arith.constant 0 : index
    %get3A_53 = vector.load %arg9[%get3A_51, %get3A_52] : memref<12x12xf32, #tpu.memory_space<vmem>>, vector<12x12xf32>
    %dot_general3A_54 = arith.constant dense<0.000000e+00> : vector<2000x12xf32>
    %dot_general3A_55 = tpu.matmul %max3A_50, %get3A_53, %dot_general3A_54 {dimension_numbers = #tpu.dot_dimension_numbers<[1], [0], [0], [1], [0, 0, 1, 1], [], []>, transpose_lhs_hint = false} : vector<2000x12xf32>, vector<12x12xf32>, vector<2000x12xf32> -> vector<2000x12xf32>
    %get3A_56 = arith.constant 0 : index
    %get3A_57 = arith.constant 0 : index
    %get3A_58 = vector.load %arg10[%get3A_56, %get3A_57] : memref<1x12xf32, #tpu.memory_space<vmem>>, vector<1x12xf32>
    %add3A_59 = vector.broadcast %get3A_58 : vector<1x12xf32> to vector<2000x12xf32>
    %add3A_60 = arith.addf %dot_general3A_55, %add3A_59 : vector<2000x12xf32>
    %swap3A = arith.constant 0 : index
    %swap3A_61 = arith.constant 0 : index
    %swap3A_62 = vector.load %arg15[%swap3A, %swap3A_61] : memref<2000x12xf32, #tpu.memory_space<vmem>>, vector<2000x12xf32>
    tpu.vector_store %arg15[%swap3A, %swap3A_61], %add3A_60 {strides = array<i32>} : memref<2000x12xf32, #tpu.memory_space<vmem>>, vector<2000x12xf32>,
    %get3A_63 = arith.constant 0 : index
    %get3A_64 = arith.constant 0 : index
    %get3A_65 = vector.load %arg11[%get3A_63, %get3A_64] : memref<12x24xf32, #tpu.memory_space<vmem>>, vector<12x24xf32>
    %dot_general3A_66 = arith.constant dense<0.000000e+00> : vector<2000x24xf32>
    %dot_general3A_67 = tpu.matmul %add3A_60, %get3A_65, %dot_general3A_66 {dimension_numbers = #tpu.dot_dimension_numbers<[1], [0], [0], [1], [0, 0, 1, 1], [], []>, transpose_lhs_hint = false} : vector<2000x12xf32>, vector<12x24xf32>, vector<2000x24xf32> -> vector<2000x24xf32>
    %get3A_68 = arith.constant 0 : index
    %get3A_69 = arith.constant 0 : index
    %get3A_70 = vector.load %arg12[%get3A_68, %get3A_69] : memref<1x24xf32, #tpu.memory_space<vmem>>, vector<1x24xf32>
    %add3A_71 = vector.broadcast %get3A_70 : vector<1x24xf32> to vector<2000x24xf32>
    %add3A_72 = arith.addf %dot_general3A_67, %add3A_71 : vector<2000x24xf32>
    %max3A_73 = arith.constant 0.000000e+00 : f32
    %max3A_74 = vector.broadcast %max3A_73 : f32 to vector<2000x24xf32>
    %max3A_75 = arith.maximumf %add3A_72, %max3A_74 : vector<2000x24xf32>
    %get3A_76 = arith.constant 0 : index
    %get3A_77 = arith.constant 0 : index
    %get3A_78 = vector.load %arg13[%get3A_76, %get3A_77] : memref<24x24xf32, #tpu.memory_space<vmem>>, vector<24x24xf32>
    %dot_general3A_79 = arith.constant dense<0.000000e+00> : vector<2000x24xf32>
    %dot_general3A_80 = tpu.matmul %max3A_75, %get3A_78, %dot_general3A_79 {dimension_numbers = #tpu.dot_dimension_numbers<[1], [0], [0], [1], [0, 0, 1, 1], [], []>, transpose_lhs_hint = false} : vector<2000x24xf32>, vector<24x24xf32>, vector<2000x24xf32> -> vector<2000x24xf32>
    %get3A_81 = arith.constant 0 : index
    %get3A_82 = arith.constant 0 : index
    %get3A_83 = vector.load %arg14[%get3A_81, %get3A_82] : memref<1x24xf32, #tpu.memory_space<vmem>>, vector<1x24xf32>
    %add3A_84 = vector.broadcast %get3A_83 : vector<1x24xf32> to vector<2000x24xf32>
    %add3A_85 = arith.addf %dot_general3A_80, %add3A_84 : vector<2000x24xf32>
    %broadcast_in_dim3A = arith.constant 0.000000e+00 : f32
    %broadcast_in_dim3A_86 = vector.broadcast %broadcast_in_dim3A : f32 to vector<2000x2xf32>
    %concatenate3A_87 = tpu.concatenate %slice3A, %add3A_85, %broadcast_in_dim3A_86 in 1 : vector<2000x6xf32>, vector<2000x24xf32>, vector<2000x2xf32> -> vector<2000x32xf32>
    %convert_element_type3A_88 = arith.truncf %concatenate3A_87 : vector<2000x32xf32> to vector<2000x32xbf16>
    %swap3A_89 = arith.constant 0 : index
    %swap3A_90 = arith.constant 0 : index
    %swap3A_91 = vector.load %arg16[%swap3A_89, %swap3A_90] : memref<2000x32xbf16, #tpu.memory_space<vmem>>, vector<2000x32xbf16>
    tpu.vector_store %arg16[%swap3A_89, %swap3A_90], %convert_element_type3A_88 {strides = array<i32>} : memref<2000x32xbf16, #tpu.memory_space<vmem>>, vector<2000x32xbf16>,
    return
  }
  func.func @transform_0(%arg0: i32) -> (i32, i32) {
    %c0_i32 = arith.constant 0 : i32
    %c0_i32_0 = arith.constant 0 : i32
    return %arg0, %c0_i32 : i32, i32
  }
  func.func @transform_1(%arg0: i32) -> (i32, i32) {
    %c0_i32 = arith.constant 0 : i32
    %c0_i32_0 = arith.constant 0 : i32
    %c0_i32_1 = arith.constant 0 : i32
    return %c0_i32, %c0_i32_0 : i32, i32
  }
  func.func @transform_2(%arg0: i32) -> (i32, i32) {
    %c0_i32 = arith.constant 0 : i32
    %c0_i32_0 = arith.constant 0 : i32
    %c0_i32_1 = arith.constant 0 : i32
    return %c0_i32, %c0_i32_0 : i32, i32
  }
  func.func @transform_3(%arg0: i32) -> (i32, i32) {
    %c0_i32 = arith.constant 0 : i32
    %c0_i32_0 = arith.constant 0 : i32
    %c0_i32_1 = arith.constant 0 : i32
    return %c0_i32, %c0_i32_0 : i32, i32
  }
  func.func @transform_4(%arg0: i32) -> (i32, i32) {
    %c0_i32 = arith.constant 0 : i32
    %c0_i32_0 = arith.constant 0 : i32
    %c0_i32_1 = arith.constant 0 : i32
    return %c0_i32, %c0_i32_0 : i32, i32
  }
  func.func @transform_5(%arg0: i32) -> (i32, i32) {
    %c0_i32 = arith.constant 0 : i32
    %c0_i32_0 = arith.constant 0 : i32
    %c0_i32_1 = arith.constant 0 : i32
    return %c0_i32, %c0_i32_0 : i32, i32
  }
  func.func @transform_6(%arg0: i32) -> (i32, i32) {
    %c0_i32 = arith.constant 0 : i32
    %c0_i32_0 = arith.constant 0 : i32
    %c0_i32_1 = arith.constant 0 : i32
    return %c0_i32, %c0_i32_0 : i32, i32
  }
  func.func @transform_7(%arg0: i32) -> (i32, i32) {
    %c0_i32 = arith.constant 0 : i32
    %c0_i32_0 = arith.constant 0 : i32
    %c0_i32_1 = arith.constant 0 : i32
    return %c0_i32, %c0_i32_0 : i32, i32
  }
  func.func @transform_8(%arg0: i32) -> (i32, i32) {
    %c0_i32 = arith.constant 0 : i32
    %c0_i32_0 = arith.constant 0 : i32
    %c0_i32_1 = arith.constant 0 : i32
    return %c0_i32, %c0_i32_0 : i32, i32
  }
  func.func @transform_9(%arg0: i32) -> (i32, i32) {
    %c0_i32 = arith.constant 0 : i32
    %c0_i32_0 = arith.constant 0 : i32
    %c0_i32_1 = arith.constant 0 : i32
    return %c0_i32, %c0_i32_0 : i32, i32
  }
  func.func @transform_10(%arg0: i32) -> (i32, i32) {
    %c0_i32 = arith.constant 0 : i32
    %c0_i32_0 = arith.constant 0 : i32
    %c0_i32_1 = arith.constant 0 : i32
    return %c0_i32, %c0_i32_0 : i32, i32
  }
  func.func @transform_11(%arg0: i32) -> (i32, i32) {
    %c0_i32 = arith.constant 0 : i32
    %c0_i32_0 = arith.constant 0 : i32
    %c0_i32_1 = arith.constant 0 : i32
    return %c0_i32, %c0_i32_0 : i32, i32
  }
  func.func @transform_12(%arg0: i32) -> (i32, i32) {
    %c0_i32 = arith.constant 0 : i32
    %c0_i32_0 = arith.constant 0 : i32
    %c0_i32_1 = arith.constant 0 : i32
    return %c0_i32, %c0_i32_0 : i32, i32
  }
  func.func @transform_13(%arg0: i32) -> (i32, i32) {
    %c0_i32 = arith.constant 0 : i32
    %c0_i32_0 = arith.constant 0 : i32
    %c0_i32_1 = arith.constant 0 : i32
    return %c0_i32, %c0_i32_0 : i32, i32
  }
  func.func @transform_14(%arg0: i32) -> (i32, i32) {
    %c0_i32 = arith.constant 0 : i32
    %c0_i32_0 = arith.constant 0 : i32
    return %arg0, %c0_i32 : i32, i32
  }
  func.func @transform_15(%arg0: i32) -> (i32, i32) {
    %c0_i32 = arith.constant 0 : i32
    %c0_i32_0 = arith.constant 0 : i32
    return %arg0, %c0_i32 : i32, i32
  }
}

module attributes {stable_mosaic.version = 14 : i64} {
  func.func @body(%arg0: i32, %arg1: memref<2000x320xbf16, #tpu.memory_space<vmem>>, %arg2: memref<288x216xf32, #tpu.memory_space<vmem>>, %arg3: memref<1x216xf32, #tpu.memory_space<vmem>>, %arg4: memref<216x216xf32, #tpu.memory_space<vmem>>, %arg5: memref<1x216xf32, #tpu.memory_space<vmem>>, %arg6: memref<6x24xf32, #tpu.memory_space<vmem>>, %arg7: memref<216x24xf32, #tpu.memory_space<vmem>>, %arg8: memref<1x24xf32, #tpu.memory_space<vmem>>, %arg9: memref<24x24xf32, #tpu.memory_space<vmem>>, %arg10: memref<1x24xf32, #tpu.memory_space<vmem>>, %arg11: memref<24x48xf32, #tpu.memory_space<vmem>>, %arg12: memref<1x48xf32, #tpu.memory_space<vmem>>, %arg13: memref<48x48xf32, #tpu.memory_space<vmem>>, %arg14: memref<1x48xf32, #tpu.memory_space<vmem>>, %arg15: memref<2000x24xf32, #tpu.memory_space<vmem>>, %arg16: memref<2000x64xbf16, #tpu.memory_space<vmem>>) attributes {dimension_semantics = [#tpu.dimension_semantics<arbitrary>], iteration_bounds = array<i64: 50>, scalar_prefetch = 0 : i64, scratch_operands = 0 : i64, tpu.core_type = #tpu.core_type<tc>, window_params = [{transform_indices = @transform_0, window_bounds = array<i64: 2000, 320>}, {pipeline_mode = #tpu.pipeline_mode<synchronous>, transform_indices = @transform_1, window_bounds = array<i64: 288, 216>}, {pipeline_mode = #tpu.pipeline_mode<synchronous>, transform_indices = @transform_2, window_bounds = array<i64: 1, 216>}, {pipeline_mode = #tpu.pipeline_mode<synchronous>, transform_indices = @transform_3, window_bounds = array<i64: 216, 216>}, {pipeline_mode = #tpu.pipeline_mode<synchronous>, transform_indices = @transform_4, window_bounds = array<i64: 1, 216>}, {pipeline_mode = #tpu.pipeline_mode<synchronous>, transform_indices = @transform_5, window_bounds = array<i64: 6, 24>}, {pipeline_mode = #tpu.pipeline_mode<synchronous>, transform_indices = @transform_6, window_bounds = array<i64: 216, 24>}, {pipeline_mode = #tpu.pipeline_mode<synchronous>, transform_indices = @transform_7, window_bounds = array<i64: 1, 24>}, {pipeline_mode = #tpu.pipeline_mode<synchronous>, transform_indices = @transform_8, window_bounds = array<i64: 24, 24>}, {pipeline_mode = #tpu.pipeline_mode<synchronous>, transform_indices = @transform_9, window_bounds = array<i64: 1, 24>}, {pipeline_mode = #tpu.pipeline_mode<synchronous>, transform_indices = @transform_10, window_bounds = array<i64: 24, 48>}, {pipeline_mode = #tpu.pipeline_mode<synchronous>, transform_indices = @transform_11, window_bounds = array<i64: 1, 48>}, {pipeline_mode = #tpu.pipeline_mode<synchronous>, transform_indices = @transform_12, window_bounds = array<i64: 48, 48>}, {pipeline_mode = #tpu.pipeline_mode<synchronous>, transform_indices = @transform_13, window_bounds = array<i64: 1, 48>}, {transform_indices = @transform_14, window_bounds = array<i64: 2000, 24>}, {transform_indices = @transform_15, window_bounds = array<i64: 2000, 64>}]} {
    %get3A = arith.constant 0 : index
    %get3A_0 = arith.constant 0 : index
    %get3A_1 = vector.load %arg1[%get3A, %get3A_0] : memref<2000x320xbf16, #tpu.memory_space<vmem>>, vector<2000x320xbf16>
    %convert_element_type3A = arith.extf %get3A_1 : vector<2000x320xbf16> to vector<2000x320xf32>
    %slice3A = vector.extract_strided_slice %convert_element_type3A {offsets = [0, 288], sizes = [2000, 6], strides = [1, 1]} : vector<2000x320xf32> to vector<2000x6xf32>
    %get3A_2 = arith.constant 0 : index
    %get3A_3 = arith.constant 0 : index
    %get3A_4 = vector.load %arg6[%get3A_2, %get3A_3] : memref<6x24xf32, #tpu.memory_space<vmem>>, vector<6x24xf32>
    %dot_general3A = arith.constant dense<0.000000e+00> : vector<2000x24xf32>
    %dot_general3A_5 = tpu.matmul %slice3A, %get3A_4, %dot_general3A {dimension_numbers = #tpu.dot_dimension_numbers<[1], [0], [0], [1], [0, 0, 1, 1], [], []>, transpose_lhs_hint = false} : vector<2000x6xf32>, vector<6x24xf32>, vector<2000x24xf32> -> vector<2000x24xf32>
    %concatenate3A = tpu.concatenate %dot_general3A_5, %dot_general3A_5, %dot_general3A_5, %dot_general3A_5, %dot_general3A_5, %dot_general3A_5, %dot_general3A_5, %dot_general3A_5, %dot_general3A_5 in 1 : vector<2000x24xf32>, vector<2000x24xf32>, vector<2000x24xf32>, vector<2000x24xf32>, vector<2000x24xf32>, vector<2000x24xf32>, vector<2000x24xf32>, vector<2000x24xf32>, vector<2000x24xf32> -> vector<2000x216xf32>
    %slice3A_6 = vector.extract_strided_slice %convert_element_type3A {offsets = [0, 0], sizes = [2000, 288], strides = [1, 1]} : vector<2000x320xf32> to vector<2000x288xf32>
    %get3A_7 = arith.constant 0 : index
    %get3A_8 = arith.constant 0 : index
    %get3A_9 = vector.load %arg2[%get3A_7, %get3A_8] : memref<288x216xf32, #tpu.memory_space<vmem>>, vector<288x216xf32>
    %dot_general3A_10 = arith.constant dense<0.000000e+00> : vector<2000x216xf32>
    %dot_general3A_11 = tpu.matmul %slice3A_6, %get3A_9, %dot_general3A_10 {dimension_numbers = #tpu.dot_dimension_numbers<[1], [0], [0], [1], [0, 0, 1, 1], [], []>, transpose_lhs_hint = false} : vector<2000x288xf32>, vector<288x216xf32>, vector<2000x216xf32> -> vector<2000x216xf32>
    %get3A_12 = arith.constant 0 : index
    %get3A_13 = arith.constant 0 : index
    %get3A_14 = vector.load %arg3[%get3A_12, %get3A_13] : memref<1x216xf32, #tpu.memory_space<vmem>>, vector<1x216xf32>
    %add3A = vector.broadcast %get3A_14 : vector<1x216xf32> to vector<2000x216xf32>
    %add3A_15 = arith.addf %dot_general3A_11, %add3A : vector<2000x216xf32>
    %sub3A = arith.subf %add3A_15, %concatenate3A : vector<2000x216xf32>
    %max3A = arith.constant 0.000000e+00 : f32
    %max3A_16 = vector.broadcast %max3A : f32 to vector<2000x216xf32>
    %max3A_17 = arith.maximumf %sub3A, %max3A_16 : vector<2000x216xf32>
    %get3A_18 = arith.constant 0 : index
    %get3A_19 = arith.constant 0 : index
    %get3A_20 = vector.load %arg4[%get3A_18, %get3A_19] : memref<216x216xf32, #tpu.memory_space<vmem>>, vector<216x216xf32>
    %dot_general3A_21 = arith.constant dense<0.000000e+00> : vector<2000x216xf32>
    %dot_general3A_22 = tpu.matmul %max3A_17, %get3A_20, %dot_general3A_21 {dimension_numbers = #tpu.dot_dimension_numbers<[1], [0], [0], [1], [0, 0, 1, 1], [], []>, transpose_lhs_hint = false} : vector<2000x216xf32>, vector<216x216xf32>, vector<2000x216xf32> -> vector<2000x216xf32>
    %get3A_23 = arith.constant 0 : index
    %get3A_24 = arith.constant 0 : index
    %get3A_25 = vector.load %arg5[%get3A_23, %get3A_24] : memref<1x216xf32, #tpu.memory_space<vmem>>, vector<1x216xf32>
    %add3A_26 = vector.broadcast %get3A_25 : vector<1x216xf32> to vector<2000x216xf32>
    %add3A_27 = arith.addf %dot_general3A_22, %add3A_26 : vector<2000x216xf32>
    %slice3A_28 = vector.extract_strided_slice %convert_element_type3A {offsets = [0, 6], sizes = [2000, 24], strides = [1, 1]} : vector<2000x320xf32> to vector<2000x24xf32>
    %slice3A_29 = vector.extract_strided_slice %convert_element_type3A {offsets = [0, 38], sizes = [2000, 24], strides = [1, 1]} : vector<2000x320xf32> to vector<2000x24xf32>
    %slice3A_30 = vector.extract_strided_slice %convert_element_type3A {offsets = [0, 70], sizes = [2000, 24], strides = [1, 1]} : vector<2000x320xf32> to vector<2000x24xf32>
    %slice3A_31 = vector.extract_strided_slice %convert_element_type3A {offsets = [0, 102], sizes = [2000, 24], strides = [1, 1]} : vector<2000x320xf32> to vector<2000x24xf32>
    %slice3A_32 = vector.extract_strided_slice %convert_element_type3A {offsets = [0, 134], sizes = [2000, 24], strides = [1, 1]} : vector<2000x320xf32> to vector<2000x24xf32>
    %slice3A_33 = vector.extract_strided_slice %convert_element_type3A {offsets = [0, 166], sizes = [2000, 24], strides = [1, 1]} : vector<2000x320xf32> to vector<2000x24xf32>
    %slice3A_34 = vector.extract_strided_slice %convert_element_type3A {offsets = [0, 198], sizes = [2000, 24], strides = [1, 1]} : vector<2000x320xf32> to vector<2000x24xf32>
    %slice3A_35 = vector.extract_strided_slice %convert_element_type3A {offsets = [0, 230], sizes = [2000, 24], strides = [1, 1]} : vector<2000x320xf32> to vector<2000x24xf32>
    %slice3A_36 = vector.extract_strided_slice %convert_element_type3A {offsets = [0, 262], sizes = [2000, 24], strides = [1, 1]} : vector<2000x320xf32> to vector<2000x24xf32>
    %concatenate3A_37 = tpu.concatenate %slice3A_28, %slice3A_29, %slice3A_30, %slice3A_31, %slice3A_32, %slice3A_33, %slice3A_34, %slice3A_35, %slice3A_36 in 1 : vector<2000x24xf32>, vector<2000x24xf32>, vector<2000x24xf32>, vector<2000x24xf32>, vector<2000x24xf32>, vector<2000x24xf32>, vector<2000x24xf32>, vector<2000x24xf32>, vector<2000x24xf32> -> vector<2000x216xf32>
    %mul3A = arith.mulf %add3A_27, %concatenate3A_37 : vector<2000x216xf32>
    %get3A_38 = arith.constant 0 : index
    %get3A_39 = arith.constant 0 : index
    %get3A_40 = vector.load %arg7[%get3A_38, %get3A_39] : memref<216x24xf32, #tpu.memory_space<vmem>>, vector<216x24xf32>
    %dot_general3A_41 = arith.constant dense<0.000000e+00> : vector<2000x24xf32>
    %dot_general3A_42 = tpu.matmul %mul3A, %get3A_40, %dot_general3A_41 {dimension_numbers = #tpu.dot_dimension_numbers<[1], [0], [0], [1], [0, 0, 1, 1], [], []>, transpose_lhs_hint = false} : vector<2000x216xf32>, vector<216x24xf32>, vector<2000x24xf32> -> vector<2000x24xf32>
    %get3A_43 = arith.constant 0 : index
    %get3A_44 = arith.constant 0 : index
    %get3A_45 = vector.load %arg8[%get3A_43, %get3A_44] : memref<1x24xf32, #tpu.memory_space<vmem>>, vector<1x24xf32>
    %add3A_46 = vector.broadcast %get3A_45 : vector<1x24xf32> to vector<2000x24xf32>
    %add3A_47 = arith.addf %dot_general3A_42, %add3A_46 : vector<2000x24xf32>
    %max3A_48 = arith.constant 0.000000e+00 : f32
    %max3A_49 = vector.broadcast %max3A_48 : f32 to vector<2000x24xf32>
    %max3A_50 = arith.maximumf %add3A_47, %max3A_49 : vector<2000x24xf32>
    %get3A_51 = arith.constant 0 : index
    %get3A_52 = arith.constant 0 : index
    %get3A_53 = vector.load %arg9[%get3A_51, %get3A_52] : memref<24x24xf32, #tpu.memory_space<vmem>>, vector<24x24xf32>
    %dot_general3A_54 = arith.constant dense<0.000000e+00> : vector<2000x24xf32>
    %dot_general3A_55 = tpu.matmul %max3A_50, %get3A_53, %dot_general3A_54 {dimension_numbers = #tpu.dot_dimension_numbers<[1], [0], [0], [1], [0, 0, 1, 1], [], []>, transpose_lhs_hint = false} : vector<2000x24xf32>, vector<24x24xf32>, vector<2000x24xf32> -> vector<2000x24xf32>
    %get3A_56 = arith.constant 0 : index
    %get3A_57 = arith.constant 0 : index
    %get3A_58 = vector.load %arg10[%get3A_56, %get3A_57] : memref<1x24xf32, #tpu.memory_space<vmem>>, vector<1x24xf32>
    %add3A_59 = vector.broadcast %get3A_58 : vector<1x24xf32> to vector<2000x24xf32>
    %add3A_60 = arith.addf %dot_general3A_55, %add3A_59 : vector<2000x24xf32>
    %swap3A = arith.constant 0 : index
    %swap3A_61 = arith.constant 0 : index
    %swap3A_62 = vector.load %arg15[%swap3A, %swap3A_61] : memref<2000x24xf32, #tpu.memory_space<vmem>>, vector<2000x24xf32>
    tpu.vector_store %arg15[%swap3A, %swap3A_61], %add3A_60 {strides = array<i32>} : memref<2000x24xf32, #tpu.memory_space<vmem>>, vector<2000x24xf32>,
    %get3A_63 = arith.constant 0 : index
    %get3A_64 = arith.constant 0 : index
    %get3A_65 = vector.load %arg11[%get3A_63, %get3A_64] : memref<24x48xf32, #tpu.memory_space<vmem>>, vector<24x48xf32>
    %dot_general3A_66 = arith.constant dense<0.000000e+00> : vector<2000x48xf32>
    %dot_general3A_67 = tpu.matmul %add3A_60, %get3A_65, %dot_general3A_66 {dimension_numbers = #tpu.dot_dimension_numbers<[1], [0], [0], [1], [0, 0, 1, 1], [], []>, transpose_lhs_hint = false} : vector<2000x24xf32>, vector<24x48xf32>, vector<2000x48xf32> -> vector<2000x48xf32>
    %get3A_68 = arith.constant 0 : index
    %get3A_69 = arith.constant 0 : index
    %get3A_70 = vector.load %arg12[%get3A_68, %get3A_69] : memref<1x48xf32, #tpu.memory_space<vmem>>, vector<1x48xf32>
    %add3A_71 = vector.broadcast %get3A_70 : vector<1x48xf32> to vector<2000x48xf32>
    %add3A_72 = arith.addf %dot_general3A_67, %add3A_71 : vector<2000x48xf32>
    %max3A_73 = arith.constant 0.000000e+00 : f32
    %max3A_74 = vector.broadcast %max3A_73 : f32 to vector<2000x48xf32>
    %max3A_75 = arith.maximumf %add3A_72, %max3A_74 : vector<2000x48xf32>
    %get3A_76 = arith.constant 0 : index
    %get3A_77 = arith.constant 0 : index
    %get3A_78 = vector.load %arg13[%get3A_76, %get3A_77] : memref<48x48xf32, #tpu.memory_space<vmem>>, vector<48x48xf32>
    %dot_general3A_79 = arith.constant dense<0.000000e+00> : vector<2000x48xf32>
    %dot_general3A_80 = tpu.matmul %max3A_75, %get3A_78, %dot_general3A_79 {dimension_numbers = #tpu.dot_dimension_numbers<[1], [0], [0], [1], [0, 0, 1, 1], [], []>, transpose_lhs_hint = false} : vector<2000x48xf32>, vector<48x48xf32>, vector<2000x48xf32> -> vector<2000x48xf32>
    %get3A_81 = arith.constant 0 : index
    %get3A_82 = arith.constant 0 : index
    %get3A_83 = vector.load %arg14[%get3A_81, %get3A_82] : memref<1x48xf32, #tpu.memory_space<vmem>>, vector<1x48xf32>
    %add3A_84 = vector.broadcast %get3A_83 : vector<1x48xf32> to vector<2000x48xf32>
    %add3A_85 = arith.addf %dot_general3A_80, %add3A_84 : vector<2000x48xf32>
    %broadcast_in_dim3A = arith.constant 0.000000e+00 : f32
    %broadcast_in_dim3A_86 = vector.broadcast %broadcast_in_dim3A : f32 to vector<2000x10xf32>
    %concatenate3A_87 = tpu.concatenate %slice3A, %add3A_85, %broadcast_in_dim3A_86 in 1 : vector<2000x6xf32>, vector<2000x48xf32>, vector<2000x10xf32> -> vector<2000x64xf32>
    %convert_element_type3A_88 = arith.truncf %concatenate3A_87 : vector<2000x64xf32> to vector<2000x64xbf16>
    %swap3A_89 = arith.constant 0 : index
    %swap3A_90 = arith.constant 0 : index
    %swap3A_91 = vector.load %arg16[%swap3A_89, %swap3A_90] : memref<2000x64xbf16, #tpu.memory_space<vmem>>, vector<2000x64xbf16>
    tpu.vector_store %arg16[%swap3A_89, %swap3A_90], %convert_element_type3A_88 {strides = array<i32>} : memref<2000x64xbf16, #tpu.memory_space<vmem>>, vector<2000x64xbf16>,
    return
  }
  func.func @transform_0(%arg0: i32) -> (i32, i32) {
    %c0_i32 = arith.constant 0 : i32
    %c0_i32_0 = arith.constant 0 : i32
    return %arg0, %c0_i32 : i32, i32
  }
  func.func @transform_1(%arg0: i32) -> (i32, i32) {
    %c0_i32 = arith.constant 0 : i32
    %c0_i32_0 = arith.constant 0 : i32
    %c0_i32_1 = arith.constant 0 : i32
    return %c0_i32, %c0_i32_0 : i32, i32
  }
  func.func @transform_2(%arg0: i32) -> (i32, i32) {
    %c0_i32 = arith.constant 0 : i32
    %c0_i32_0 = arith.constant 0 : i32
    %c0_i32_1 = arith.constant 0 : i32
    return %c0_i32, %c0_i32_0 : i32, i32
  }
  func.func @transform_3(%arg0: i32) -> (i32, i32) {
    %c0_i32 = arith.constant 0 : i32
    %c0_i32_0 = arith.constant 0 : i32
    %c0_i32_1 = arith.constant 0 : i32
    return %c0_i32, %c0_i32_0 : i32, i32
  }
  func.func @transform_4(%arg0: i32) -> (i32, i32) {
    %c0_i32 = arith.constant 0 : i32
    %c0_i32_0 = arith.constant 0 : i32
    %c0_i32_1 = arith.constant 0 : i32
    return %c0_i32, %c0_i32_0 : i32, i32
  }
  func.func @transform_5(%arg0: i32) -> (i32, i32) {
    %c0_i32 = arith.constant 0 : i32
    %c0_i32_0 = arith.constant 0 : i32
    %c0_i32_1 = arith.constant 0 : i32
    return %c0_i32, %c0_i32_0 : i32, i32
  }
  func.func @transform_6(%arg0: i32) -> (i32, i32) {
    %c0_i32 = arith.constant 0 : i32
    %c0_i32_0 = arith.constant 0 : i32
    %c0_i32_1 = arith.constant 0 : i32
    return %c0_i32, %c0_i32_0 : i32, i32
  }
  func.func @transform_7(%arg0: i32) -> (i32, i32) {
    %c0_i32 = arith.constant 0 : i32
    %c0_i32_0 = arith.constant 0 : i32
    %c0_i32_1 = arith.constant 0 : i32
    return %c0_i32, %c0_i32_0 : i32, i32
  }
  func.func @transform_8(%arg0: i32) -> (i32, i32) {
    %c0_i32 = arith.constant 0 : i32
    %c0_i32_0 = arith.constant 0 : i32
    %c0_i32_1 = arith.constant 0 : i32
    return %c0_i32, %c0_i32_0 : i32, i32
  }
  func.func @transform_9(%arg0: i32) -> (i32, i32) {
    %c0_i32 = arith.constant 0 : i32
    %c0_i32_0 = arith.constant 0 : i32
    %c0_i32_1 = arith.constant 0 : i32
    return %c0_i32, %c0_i32_0 : i32, i32
  }
  func.func @transform_10(%arg0: i32) -> (i32, i32) {
    %c0_i32 = arith.constant 0 : i32
    %c0_i32_0 = arith.constant 0 : i32
    %c0_i32_1 = arith.constant 0 : i32
    return %c0_i32, %c0_i32_0 : i32, i32
  }
  func.func @transform_11(%arg0: i32) -> (i32, i32) {
    %c0_i32 = arith.constant 0 : i32
    %c0_i32_0 = arith.constant 0 : i32
    %c0_i32_1 = arith.constant 0 : i32
    return %c0_i32, %c0_i32_0 : i32, i32
  }
  func.func @transform_12(%arg0: i32) -> (i32, i32) {
    %c0_i32 = arith.constant 0 : i32
    %c0_i32_0 = arith.constant 0 : i32
    %c0_i32_1 = arith.constant 0 : i32
    return %c0_i32, %c0_i32_0 : i32, i32
  }
  func.func @transform_13(%arg0: i32) -> (i32, i32) {
    %c0_i32 = arith.constant 0 : i32
    %c0_i32_0 = arith.constant 0 : i32
    %c0_i32_1 = arith.constant 0 : i32
    return %c0_i32, %c0_i32_0 : i32, i32
  }
  func.func @transform_14(%arg0: i32) -> (i32, i32) {
    %c0_i32 = arith.constant 0 : i32
    %c0_i32_0 = arith.constant 0 : i32
    return %arg0, %c0_i32 : i32, i32
  }
  func.func @transform_15(%arg0: i32) -> (i32, i32) {
    %c0_i32 = arith.constant 0 : i32
    %c0_i32_0 = arith.constant 0 : i32
    return %arg0, %c0_i32 : i32, i32
  }
}

module attributes {stable_mosaic.version = 14 : i64} {
  func.func @body(%arg0: i32, %arg1: memref<2000x640xbf16, #tpu.memory_space<vmem>>, %arg2: memref<576x432xf32, #tpu.memory_space<vmem>>, %arg3: memref<1x432xf32, #tpu.memory_space<vmem>>, %arg4: memref<432x432xf32, #tpu.memory_space<vmem>>, %arg5: memref<1x432xf32, #tpu.memory_space<vmem>>, %arg6: memref<6x48xf32, #tpu.memory_space<vmem>>, %arg7: memref<432x48xf32, #tpu.memory_space<vmem>>, %arg8: memref<1x48xf32, #tpu.memory_space<vmem>>, %arg9: memref<48x48xf32, #tpu.memory_space<vmem>>, %arg10: memref<1x48xf32, #tpu.memory_space<vmem>>, %arg11: memref<2000x12xf32, #tpu.memory_space<vmem>>, %arg12: memref<2000x24xf32, #tpu.memory_space<vmem>>, %arg13: memref<2000x6xf32, #tpu.memory_space<vmem>>, %arg14: memref<2000x90xf32, #tpu.memory_space<vmem>>) attributes {dimension_semantics = [#tpu.dimension_semantics<arbitrary>], iteration_bounds = array<i64: 50>, scalar_prefetch = 0 : i64, scratch_operands = 0 : i64, tpu.core_type = #tpu.core_type<tc>, window_params = [{transform_indices = @transform_0, window_bounds = array<i64: 2000, 640>}, {pipeline_mode = #tpu.pipeline_mode<synchronous>, transform_indices = @transform_1, window_bounds = array<i64: 576, 432>}, {pipeline_mode = #tpu.pipeline_mode<synchronous>, transform_indices = @transform_2, window_bounds = array<i64: 1, 432>}, {pipeline_mode = #tpu.pipeline_mode<synchronous>, transform_indices = @transform_3, window_bounds = array<i64: 432, 432>}, {pipeline_mode = #tpu.pipeline_mode<synchronous>, transform_indices = @transform_4, window_bounds = array<i64: 1, 432>}, {pipeline_mode = #tpu.pipeline_mode<synchronous>, transform_indices = @transform_5, window_bounds = array<i64: 6, 48>}, {pipeline_mode = #tpu.pipeline_mode<synchronous>, transform_indices = @transform_6, window_bounds = array<i64: 432, 48>}, {pipeline_mode = #tpu.pipeline_mode<synchronous>, transform_indices = @transform_7, window_bounds = array<i64: 1, 48>}, {pipeline_mode = #tpu.pipeline_mode<synchronous>, transform_indices = @transform_8, window_bounds = array<i64: 48, 48>}, {pipeline_mode = #tpu.pipeline_mode<synchronous>, transform_indices = @transform_9, window_bounds = array<i64: 1, 48>}, {transform_indices = @transform_10, window_bounds = array<i64: 2000, 12>}, {transform_indices = @transform_11, window_bounds = array<i64: 2000, 24>}, {transform_indices = @transform_12, window_bounds = array<i64: 2000, 6>}, {transform_indices = @transform_13, window_bounds = array<i64: 2000, 90>}]} {
    %get3A = arith.constant 0 : index
    %get3A_0 = arith.constant 0 : index
    %get3A_1 = vector.load %arg1[%get3A, %get3A_0] : memref<2000x640xbf16, #tpu.memory_space<vmem>>, vector<2000x640xbf16>
    %convert_element_type3A = arith.extf %get3A_1 : vector<2000x640xbf16> to vector<2000x640xf32>
    %slice3A = vector.extract_strided_slice %convert_element_type3A {offsets = [0, 576], sizes = [2000, 6], strides = [1, 1]} : vector<2000x640xf32> to vector<2000x6xf32>
    %get3A_2 = arith.constant 0 : index
    %get3A_3 = arith.constant 0 : index
    %get3A_4 = vector.load %arg6[%get3A_2, %get3A_3] : memref<6x48xf32, #tpu.memory_space<vmem>>, vector<6x48xf32>
    %dot_general3A = arith.constant dense<0.000000e+00> : vector<2000x48xf32>
    %dot_general3A_5 = tpu.matmul %slice3A, %get3A_4, %dot_general3A {dimension_numbers = #tpu.dot_dimension_numbers<[1], [0], [0], [1], [0, 0, 1, 1], [], []>, transpose_lhs_hint = false} : vector<2000x6xf32>, vector<6x48xf32>, vector<2000x48xf32> -> vector<2000x48xf32>
    %concatenate3A = tpu.concatenate %dot_general3A_5, %dot_general3A_5, %dot_general3A_5, %dot_general3A_5, %dot_general3A_5, %dot_general3A_5, %dot_general3A_5, %dot_general3A_5, %dot_general3A_5 in 1 : vector<2000x48xf32>, vector<2000x48xf32>, vector<2000x48xf32>, vector<2000x48xf32>, vector<2000x48xf32>, vector<2000x48xf32>, vector<2000x48xf32>, vector<2000x48xf32>, vector<2000x48xf32> -> vector<2000x432xf32>
    %slice3A_6 = vector.extract_strided_slice %convert_element_type3A {offsets = [0, 0], sizes = [2000, 576], strides = [1, 1]} : vector<2000x640xf32> to vector<2000x576xf32>
    %get3A_7 = arith.constant 0 : index
    %get3A_8 = arith.constant 0 : index
    %get3A_9 = vector.load %arg2[%get3A_7, %get3A_8] : memref<576x432xf32, #tpu.memory_space<vmem>>, vector<576x432xf32>
    %dot_general3A_10 = arith.constant dense<0.000000e+00> : vector<2000x432xf32>
    %dot_general3A_11 = tpu.matmul %slice3A_6, %get3A_9, %dot_general3A_10 {dimension_numbers = #tpu.dot_dimension_numbers<[1], [0], [0], [1], [0, 0, 1, 1], [], []>, transpose_lhs_hint = false} : vector<2000x576xf32>, vector<576x432xf32>, vector<2000x432xf32> -> vector<2000x432xf32>
    %get3A_12 = arith.constant 0 : index
    %get3A_13 = arith.constant 0 : index
    %get3A_14 = vector.load %arg3[%get3A_12, %get3A_13] : memref<1x432xf32, #tpu.memory_space<vmem>>, vector<1x432xf32>
    %add3A = vector.broadcast %get3A_14 : vector<1x432xf32> to vector<2000x432xf32>
    %add3A_15 = arith.addf %dot_general3A_11, %add3A : vector<2000x432xf32>
    %sub3A = arith.subf %add3A_15, %concatenate3A : vector<2000x432xf32>
    %max3A = arith.constant 0.000000e+00 : f32
    %max3A_16 = vector.broadcast %max3A : f32 to vector<2000x432xf32>
    %max3A_17 = arith.maximumf %sub3A, %max3A_16 : vector<2000x432xf32>
    %get3A_18 = arith.constant 0 : index
    %get3A_19 = arith.constant 0 : index
    %get3A_20 = vector.load %arg4[%get3A_18, %get3A_19] : memref<432x432xf32, #tpu.memory_space<vmem>>, vector<432x432xf32>
    %dot_general3A_21 = arith.constant dense<0.000000e+00> : vector<2000x432xf32>
    %dot_general3A_22 = tpu.matmul %max3A_17, %get3A_20, %dot_general3A_21 {dimension_numbers = #tpu.dot_dimension_numbers<[1], [0], [0], [1], [0, 0, 1, 1], [], []>, transpose_lhs_hint = false} : vector<2000x432xf32>, vector<432x432xf32>, vector<2000x432xf32> -> vector<2000x432xf32>
    %get3A_23 = arith.constant 0 : index
    %get3A_24 = arith.constant 0 : index
    %get3A_25 = vector.load %arg5[%get3A_23, %get3A_24] : memref<1x432xf32, #tpu.memory_space<vmem>>, vector<1x432xf32>
    %add3A_26 = vector.broadcast %get3A_25 : vector<1x432xf32> to vector<2000x432xf32>
    %add3A_27 = arith.addf %dot_general3A_22, %add3A_26 : vector<2000x432xf32>
    %slice3A_28 = vector.extract_strided_slice %convert_element_type3A {offsets = [0, 6], sizes = [2000, 48], strides = [1, 1]} : vector<2000x640xf32> to vector<2000x48xf32>
    %slice3A_29 = vector.extract_strided_slice %convert_element_type3A {offsets = [0, 70], sizes = [2000, 48], strides = [1, 1]} : vector<2000x640xf32> to vector<2000x48xf32>
    %slice3A_30 = vector.extract_strided_slice %convert_element_type3A {offsets = [0, 134], sizes = [2000, 48], strides = [1, 1]} : vector<2000x640xf32> to vector<2000x48xf32>
    %slice3A_31 = vector.extract_strided_slice %convert_element_type3A {offsets = [0, 198], sizes = [2000, 48], strides = [1, 1]} : vector<2000x640xf32> to vector<2000x48xf32>
    %slice3A_32 = vector.extract_strided_slice %convert_element_type3A {offsets = [0, 262], sizes = [2000, 48], strides = [1, 1]} : vector<2000x640xf32> to vector<2000x48xf32>
    %slice3A_33 = vector.extract_strided_slice %convert_element_type3A {offsets = [0, 326], sizes = [2000, 48], strides = [1, 1]} : vector<2000x640xf32> to vector<2000x48xf32>
    %slice3A_34 = vector.extract_strided_slice %convert_element_type3A {offsets = [0, 390], sizes = [2000, 48], strides = [1, 1]} : vector<2000x640xf32> to vector<2000x48xf32>
    %slice3A_35 = vector.extract_strided_slice %convert_element_type3A {offsets = [0, 454], sizes = [2000, 48], strides = [1, 1]} : vector<2000x640xf32> to vector<2000x48xf32>
    %slice3A_36 = vector.extract_strided_slice %convert_element_type3A {offsets = [0, 518], sizes = [2000, 48], strides = [1, 1]} : vector<2000x640xf32> to vector<2000x48xf32>
    %concatenate3A_37 = tpu.concatenate %slice3A_28, %slice3A_29, %slice3A_30, %slice3A_31, %slice3A_32, %slice3A_33, %slice3A_34, %slice3A_35, %slice3A_36 in 1 : vector<2000x48xf32>, vector<2000x48xf32>, vector<2000x48xf32>, vector<2000x48xf32>, vector<2000x48xf32>, vector<2000x48xf32>, vector<2000x48xf32>, vector<2000x48xf32>, vector<2000x48xf32> -> vector<2000x432xf32>
    %mul3A = arith.mulf %add3A_27, %concatenate3A_37 : vector<2000x432xf32>
    %get3A_38 = arith.constant 0 : index
    %get3A_39 = arith.constant 0 : index
    %get3A_40 = vector.load %arg7[%get3A_38, %get3A_39] : memref<432x48xf32, #tpu.memory_space<vmem>>, vector<432x48xf32>
    %dot_general3A_41 = arith.constant dense<0.000000e+00> : vector<2000x48xf32>
    %dot_general3A_42 = tpu.matmul %mul3A, %get3A_40, %dot_general3A_41 {dimension_numbers = #tpu.dot_dimension_numbers<[1], [0], [0], [1], [0, 0, 1, 1], [], []>, transpose_lhs_hint = false} : vector<2000x432xf32>, vector<432x48xf32>, vector<2000x48xf32> -> vector<2000x48xf32>
    %get3A_43 = arith.constant 0 : index
    %get3A_44 = arith.constant 0 : index
    %get3A_45 = vector.load %arg8[%get3A_43, %get3A_44] : memref<1x48xf32, #tpu.memory_space<vmem>>, vector<1x48xf32>
    %add3A_46 = vector.broadcast %get3A_45 : vector<1x48xf32> to vector<2000x48xf32>
    %add3A_47 = arith.addf %dot_general3A_42, %add3A_46 : vector<2000x48xf32>
    %max3A_48 = arith.constant 0.000000e+00 : f32
    %max3A_49 = vector.broadcast %max3A_48 : f32 to vector<2000x48xf32>
    %max3A_50 = arith.maximumf %add3A_47, %max3A_49 : vector<2000x48xf32>
    %get3A_51 = arith.constant 0 : index
    %get3A_52 = arith.constant 0 : index
    %get3A_53 = vector.load %arg9[%get3A_51, %get3A_52] : memref<48x48xf32, #tpu.memory_space<vmem>>, vector<48x48xf32>
    %dot_general3A_54 = arith.constant dense<0.000000e+00> : vector<2000x48xf32>
    %dot_general3A_55 = tpu.matmul %max3A_50, %get3A_53, %dot_general3A_54 {dimension_numbers = #tpu.dot_dimension_numbers<[1], [0], [0], [1], [0, 0, 1, 1], [], []>, transpose_lhs_hint = false} : vector<2000x48xf32>, vector<48x48xf32>, vector<2000x48xf32> -> vector<2000x48xf32>
    %get3A_56 = arith.constant 0 : index
    %get3A_57 = arith.constant 0 : index
    %get3A_58 = vector.load %arg10[%get3A_56, %get3A_57] : memref<1x48xf32, #tpu.memory_space<vmem>>, vector<1x48xf32>
    %add3A_59 = vector.broadcast %get3A_58 : vector<1x48xf32> to vector<2000x48xf32>
    %add3A_60 = arith.addf %dot_general3A_55, %add3A_59 : vector<2000x48xf32>
    %get3A_61 = arith.constant 0 : index
    %get3A_62 = arith.constant 0 : index
    %get3A_63 = vector.load %arg12[%get3A_61, %get3A_62] : memref<2000x24xf32, #tpu.memory_space<vmem>>, vector<2000x24xf32>
    %get3A_64 = arith.constant 0 : index
    %get3A_65 = arith.constant 0 : index
    %get3A_66 = vector.load %arg11[%get3A_64, %get3A_65] : memref<2000x12xf32, #tpu.memory_space<vmem>>, vector<2000x12xf32>
    %get3A_67 = arith.constant 0 : index
    %get3A_68 = arith.constant 0 : index
    %get3A_69 = vector.load %arg13[%get3A_67, %get3A_68] : memref<2000x6xf32, #tpu.memory_space<vmem>>, vector<2000x6xf32>
    %concatenate3A_70 = tpu.concatenate %add3A_60, %get3A_63, %get3A_66, %get3A_69 in 1 : vector<2000x48xf32>, vector<2000x24xf32>, vector<2000x12xf32>, vector<2000x6xf32> -> vector<2000x90xf32>
    %swap3A = arith.constant 0 : index
    %swap3A_71 = arith.constant 0 : index
    %swap3A_72 = vector.load %arg14[%swap3A, %swap3A_71] : memref<2000x90xf32, #tpu.memory_space<vmem>>, vector<2000x90xf32>
    tpu.vector_store %arg14[%swap3A, %swap3A_71], %concatenate3A_70 {strides = array<i32>} : memref<2000x90xf32, #tpu.memory_space<vmem>>, vector<2000x90xf32>,
    return
  }
  func.func @transform_0(%arg0: i32) -> (i32, i32) {
    %c0_i32 = arith.constant 0 : i32
    %c0_i32_0 = arith.constant 0 : i32
    return %arg0, %c0_i32 : i32, i32
  }
  func.func @transform_1(%arg0: i32) -> (i32, i32) {
    %c0_i32 = arith.constant 0 : i32
    %c0_i32_0 = arith.constant 0 : i32
    %c0_i32_1 = arith.constant 0 : i32
    return %c0_i32, %c0_i32_0 : i32, i32
  }
  func.func @transform_2(%arg0: i32) -> (i32, i32) {
    %c0_i32 = arith.constant 0 : i32
    %c0_i32_0 = arith.constant 0 : i32
    %c0_i32_1 = arith.constant 0 : i32
    return %c0_i32, %c0_i32_0 : i32, i32
  }
  func.func @transform_3(%arg0: i32) -> (i32, i32) {
    %c0_i32 = arith.constant 0 : i32
    %c0_i32_0 = arith.constant 0 : i32
    %c0_i32_1 = arith.constant 0 : i32
    return %c0_i32, %c0_i32_0 : i32, i32
  }
  func.func @transform_4(%arg0: i32) -> (i32, i32) {
    %c0_i32 = arith.constant 0 : i32
    %c0_i32_0 = arith.constant 0 : i32
    %c0_i32_1 = arith.constant 0 : i32
    return %c0_i32, %c0_i32_0 : i32, i32
  }
  func.func @transform_5(%arg0: i32) -> (i32, i32) {
    %c0_i32 = arith.constant 0 : i32
    %c0_i32_0 = arith.constant 0 : i32
    %c0_i32_1 = arith.constant 0 : i32
    return %c0_i32, %c0_i32_0 : i32, i32
  }
  func.func @transform_6(%arg0: i32) -> (i32, i32) {
    %c0_i32 = arith.constant 0 : i32
    %c0_i32_0 = arith.constant 0 : i32
    %c0_i32_1 = arith.constant 0 : i32
    return %c0_i32, %c0_i32_0 : i32, i32
  }
  func.func @transform_7(%arg0: i32) -> (i32, i32) {
    %c0_i32 = arith.constant 0 : i32
    %c0_i32_0 = arith.constant 0 : i32
    %c0_i32_1 = arith.constant 0 : i32
    return %c0_i32, %c0_i32_0 : i32, i32
  }
  func.func @transform_8(%arg0: i32) -> (i32, i32) {
    %c0_i32 = arith.constant 0 : i32
    %c0_i32_0 = arith.constant 0 : i32
    %c0_i32_1 = arith.constant 0 : i32
    return %c0_i32, %c0_i32_0 : i32, i32
  }
  func.func @transform_9(%arg0: i32) -> (i32, i32) {
    %c0_i32 = arith.constant 0 : i32
    %c0_i32_0 = arith.constant 0 : i32
    %c0_i32_1 = arith.constant 0 : i32
    return %c0_i32, %c0_i32_0 : i32, i32
  }
  func.func @transform_10(%arg0: i32) -> (i32, i32) {
    %c0_i32 = arith.constant 0 : i32
    %c0_i32_0 = arith.constant 0 : i32
    return %arg0, %c0_i32 : i32, i32
  }
  func.func @transform_11(%arg0: i32) -> (i32, i32) {
    %c0_i32 = arith.constant 0 : i32
    %c0_i32_0 = arith.constant 0 : i32
    return %arg0, %c0_i32 : i32, i32
  }
  func.func @transform_12(%arg0: i32) -> (i32, i32) {
    %c0_i32 = arith.constant 0 : i32
    %c0_i32_0 = arith.constant 0 : i32
    return %arg0, %c0_i32 : i32, i32
  }
  func.func @transform_13(%arg0: i32) -> (i32, i32) {
    %c0_i32 = arith.constant 0 : i32
    %c0_i32_0 = arith.constant 0 : i32
    return %arg0, %c0_i32 : i32, i32
  }
}

</mosaic_0001>

<sc_bundles>
// kernel: kernel.10.cloned.1.call-start
scs
__scs_entry_jumppad:
0x0: {  	(pc) =	sbr.rel $0x88, $3  }
0x1: {  	(tag) =	ssettag $0x0;
	lr =	simm.s32 $0x1  }
0x2: {  	[smem:$0x3F57] =	sst lr;
	_ =	strace $0xD0000000  }
0x3: {  	_ = 	snop  }
0x4: {  	_ = 	snop  }
0x5: {  	_ = 	snop  }
0x6: {  	_ = 	snop  }
0x7: {  	_ = 	snop  }
__scs_overlays_trampoline_lowered:
0x8: {  	[smem:$0x3F66] =	sst s0  }
0x9: {  	[smem:$0x3F67] =	sst s1  }
0xa: {  	[smem:$0x3F68] =	sst s2  }
0xb: {  	[smem:$0x3F69] =	sst s3  }
0xc: {  	[smem:$0x3F6A] =	sst s4  }
0xd: {  	[smem:$0x3F6B] =	sst s5  }
0xe: {  	[smem:$0x3F6C] =	sst s6  }
0xf: {  	[smem:$0x3F6D] =	sst s7  }
0x10: {  	[smem:$0x3F6E] =	sst s8  }
0x11: {  	[smem:$0x3F6F] =	sst s9;
	s0 =	simm.s32 @!p0 $0x0  }
0x12: {  	s1 =	sld [smem:$0x3F55];
	s0 =	simm.s32 @p0 $0x1  }
0x13: {  	[smem:$0x3F70] =	sst s0;
	s0 =	simm.s32 @!p1 $0x0  }
0x14: {  	s2 =	sld [smem:$0x3F54];
	s0 =	simm.s32 @p1 $0x1  }
0x15: {  	[smem:$0x3F71] =	sst s0;
	s0 =	simm.s32 @!p2 $0x0  }
0x16: {  	s3 =	sld [smem:$0x3FDB];
	s0 =	simm.s32 @p2 $0x1  }
0x17: {  	s4 =	simm.s32 $0x1BF5;
	[smem:$0x3F73] =	sst s0  }
0x18: {  	s0 =	sld [smem:$0x3F56];
	_ =	swait.ge [sflag:s4], $0x0  }
0x19: {  	s7 =	sld [smem:$0x3F57]  }
0x1a: {  	s8 =	sadd.s32 $0xFFFFE003, lr  }
0x1b: {  	s9 =	sadd.s32 $0xFFFFFEF7, lr;
	s5 =	simm.s32 $0xFFFFFFFF;
	p2 =	slt.u32 s8, $0xFFFFF086  }
0x1c: {  	p1 =	slt.u32 s9, $0xF7A;
	s5 =	simm.s32 @!p2 $0x0  }
0x1d: {  	s5 =	simm.s32 @p1 $0x1;
	p0 =	seq.s32 s7, s2  }
0x1e: {  	s7 =	smul.u32 @!p0 $0xF7A, s2;
	p2 =	seq.s32 @!p0 s5, $0x0  }
0x1f: {  	s9 =	smul.u32 $0xF7A, s1;
	s8 =	simm.s32 @!p0 $0x1BF5;
	p2 =	por !p2, p0  }
0x20: {  	[sflag:s8] =	ssyncset.s32 @!p0 $0xFFFFF086;
	s6 =	sadd.s32 @!p0 s3, s7;
	s7 =	simm.s32 @!p0 $0x108  }
0x21: {  	s3 =	sadd.s32 s3, s9;
	s6 =	sadd.s32 @!p0 $0x88, s6;
	s7 =	simm.s32 @p2 $0x1082  }
0x22: {  	[simem:s7], [sflag:s8] =	dma.local @!p0 [hbm:s6], $0xF7A  }
0x23: {  	s9 =	sor.u32 $0xD0000000, s2;
	s6 =	simm.s32 $0x108;
	_ =	swait.ge @!p0 [sflag:s8], $0x0  }
0x24: {  	s3 =	sadd.s32 $0x88, s3;
	s6 =	simm.s32 @!p1 $0x1082;
	[sflag:s4] =	ssyncset.s32 $0xFFFFF086  }
0x25: {  	[simem:s6], [sflag:s4] =	dma.local [hbm:s3], $0xF7A  }
0x26: {  	[smem:$0x3F57] =	sst s1;
	(tag) =	ssettag s2;
	_ =	strace s9  }
0x27: {  	s1 =	sld [smem:$0x3F67]  }
0x28: {  	s2 =	sld [smem:$0x3F68]  }
0x29: {  	s4 =	sld [smem:$0x3F6A]  }
0x2a: {  	p0 =	seq.s32 s5, $0x0;
	s5 =	sld [smem:$0x3F6B]  }
0x2b: {  	s6 =	sld [smem:$0x3F6C]  }
0x2c: {  	s7 =	sld [smem:$0x3F6D]  }
0x2d: {  	s3 =	simm.s32 $0x108;
	s8 =	sld [smem:$0x3F6E]  }
0x2e: {  	s3 =	simm.s32 @!p0 $0x1082;
	s9 =	sld [smem:$0x3F6F]  }
0x2f: {  	lr =	sadd.s32 s0, s3;
	s0 =	sld [smem:$0x3F66]  }
0x30: {  	s3 =	sld [smem:$0x3F69]  }
0x31: {  	[smem:$0x3F72] =	sst s10  }
0x32: {  	s10 =	sld [smem:$0x3F70];
	_ =	sdelay $0x3  }
0x33: {  	p0 =	seq.s32 s10, $0x1;
	s10 =	sld [smem:$0x3F72];
	_ =	sdelay $0x3  }
0x34: {  	[smem:$0x3F72] =	sst s10  }
0x35: {  	s10 =	sld [smem:$0x3F71];
	_ =	sdelay $0x3  }
0x36: {  	p1 =	seq.s32 s10, $0x1;
	s10 =	sld [smem:$0x3F72];
	_ =	sdelay $0x3  }
0x37: {  	[smem:$0x3F72] =	sst s10  }
0x38: {  	s10 =	sld [smem:$0x3F73]  }
0x39: {  	_ = 	snop;
	(pc) =	sbr.ind lr, $3  }
0x3a: {  	_ = 	snop  }
0x3b: {  	_ = 	snop  }
0x3c: {  	p2 =	seq.s32 s10, $0x1;
	s10 =	sld [smem:$0x3F72]  }
0x3d: {  	_ =	shalt  }
0x3e: {  	_ =	shalt  }
0x3f: {  	_ =	shalt  }
0x40: {  	_ =	shalt  }
0x41: {  	_ =	shalt  }
0x42: {  	_ =	shalt  }
0x43: {  	_ =	shalt  }
0x44: {  	_ =	shalt  }
0x45: {  	_ =	shalt  }
0x46: {  	_ =	shalt  }
0x47: {  	_ =	shalt  }
0x48: {  	_ =	shalt  }
0x49: {  	_ =	shalt  }
0x4a: {  	_ =	shalt  }
0x4b: {  	_ =	shalt  }
0x4c: {  	_ =	shalt  }
0x4d: {  	_ =	shalt  }
0x4e: {  	_ =	shalt  }
0x4f: {  	_ =	shalt  }
0x50: {  	_ =	shalt  }
0x51: {  	_ =	shalt  }
0x52: {  	_ =	shalt  }
0x53: {  	_ =	shalt  }
0x54: {  	_ =	shalt  }
0x55: {  	_ =	shalt  }
0x56: {  	_ =	shalt  }
0x57: {  	_ =	shalt  }
0x58: {  	_ =	shalt  }
0x59: {  	_ =	shalt  }
0x5a: {  	_ =	shalt  }
0x5b: {  	_ =	shalt  }
0x5c: {  	_ =	shalt  }
0x5d: {  	_ =	shalt  }
0x5e: {  	_ =	shalt  }
0x5f: {  	_ =	shalt  }
0x60: {  	_ =	shalt  }
0x61: {  	_ =	shalt  }
0x62: {  	_ =	shalt  }
0x63: {  	_ =	shalt  }
0x64: {  	_ =	shalt  }
0x65: {  	_ =	shalt  }
0x66: {  	_ =	shalt  }
0x67: {  	_ =	shalt  }
0x68: {  	_ =	shalt  }
0x69: {  	_ =	shalt  }
0x6a: {  	_ =	shalt  }
0x6b: {  	_ =	shalt  }
0x6c: {  	_ =	shalt  }
0x6d: {  	_ =	shalt  }
0x6e: {  	_ =	shalt  }
0x6f: {  	_ =	shalt  }
0x70: {  	_ =	shalt  }
0x71: {  	_ =	shalt  }
0x72: {  	_ =	shalt  }
0x73: {  	_ =	shalt  }
0x74: {  	_ =	shalt  }
0x75: {  	_ =	shalt  }
0x76: {  	_ =	shalt  }
0x77: {  	_ =	shalt  }
0x78: {  	_ =	shalt  }
0x79: {  	_ =	shalt  }
0x7a: {  	_ =	shalt  }
0x7b: {  	_ =	shalt  }
0x7c: {  	_ =	shalt  }
0x7d: {  	_ =	shalt  }
0x7e: {  	_ =	shalt  }
0x7f: {  	_ =	shalt  }
0x80: {  	_ =	shalt  }
0x81: {  	_ =	shalt  }
0x82: {  	_ =	shalt  }
0x83: {  	_ =	shalt  }
0x84: {  	_ =	shalt  }
0x85: {  	_ =	shalt  }
0x86: {  	_ =	shalt  }
0x87: {  	_ =	shalt  }
.Lfunc_end0:
.L_simem_size_0:
called_computation_lowered:
.L_overlay_start_0:
0x88: {  	s2 =	sld [smem:$0x3FD9]  }
0x89: {  	s3 =	sld [smem:$0x3FFE];
	_ =	sdelay $0x1  }
0x8a: {  	s1 =	srdreg.scid  }
0x8b: {  	s0 =	sand.u32 $0x1, s1  }
0x8c: {  	s17 =	sshll.u32 s0, $0xA;
	s2 =	sadd.s32 s3, s2  }
0x8d: {  	s2 =	sadd.s32 s2, s17  }
0x8e: {  	[smem:$0x3F7E] =	sst s2  }
0x8f: {  	_ = 	snop  }
0x90: {  	s2 =	sld [smem:$0x3FD0];
	(tm) =	ssettm $0x1  }
0x91: {  	s18 =	sld [smem:$0x3FFB];
	_ =	sdelay $0x3  }
0x92: {  	_ =	strace s18  }
0x93: {  	s3 =	sld [smem:$0x3FFC];
	_ =	sdelay $0x3  }
0x94: {  	_ =	strace s3  }
0x95: {  	s3 =	sld [smem:$0x3FFD];
	_ =	sdelay $0x3  }
0x96: {  	_ =	strace s3  }
0x97: {  	_ =	strace $0x8FFFFFFF  }
0x98: {  	s19 =	sld [smem:$0x3FDB];
	_ =	sdelay $0x1  }
0x99: {  	s4 =	simm.s32 $_scs_section_size  }
0x9a: {  	s5 =	simm.s32 $_size__tile_overlayer_lowered;
	s6 =	simm.s32 $_tile_overlayer_lowered  }
0x9b: {  	s22 =	simm.s32 $0x1BFF;
	s21 =	sshll.u32 s6, $0x1;
	s3 =	sadd.s32 s4, s19  }
0x9c: {  	s7 =	simm.s32 $0x0;
	s20 =	sshll.u32 s5, $0x1;
	s5 =	sadd.s32 s21, s3  }
0x9d: {  	[timem:s7], [sflag:s22] =	dma.local [hbm:s5], s20  }
0x9e: {  	_ =	swait.ge [sflag:s22], s20  }
0x9f: {  	s4 =	ssub.s32 $0x0, s20;
	[sflag:s22] =	ssyncset.done $0x0  }
0xa0: {  	[sflag:s22] =	ssyncadd.s32 s4;
	_ =	sdelay $0x1  }
0xa1: {  	s23 =	simm.s32 $0x1B8B  }
0xa2: {  	_ =	swait.ge [sflag:s23], $0x1  }
0xa3: {  	[sflag:s23] =	ssyncset.done $0x0  }
0xa4: {  	s25 =	simm.s32 $0x1B8E;
	s24 =	sld [smem:$0x3FFE];
	[sflag:s23] =	ssyncadd.s32 $0xFFFFFFFF  }
0xa5: {  	s26 =	simm.s32 $execute0_lowered;
	[smem:$0x3FD2] =	sst s25  }
0xa6: {  	s5 =	sshll.u32 s26, $0x1;
	_ =	strace $0x80000046;
	[dreg:$0x1] =	wrdreg $0xFFFFFFFF  }
0xa7: {  	s28 =	simm.s32 $_size_execute0_lowered;
	s3 =	sadd.s32 s3, s5;
	[dreg:$0x0] =	wrdreg $0x0  }
0xa8: {  	s5 =	sshll.u32 s28, $0x1;
	[dreg:$0x2] =	wrdreg s3  }
0xa9: {  	[dreg:$0x3] =	wrdreg s5  }
0xaa: {  	[dreg:$0x4] =	wrdreg $0xC0  }
0xab: {  	_ =	task [dreg:s7], $0x5FFFF  }
0xac: {  	[dreg:$0x1] =	wrdreg $0xFFFFFFFF  }
0xad: {  	[dreg:$0x0] =	wrdreg $0x60  }
0xae: {  	[dreg:$0x2] =	wrdreg s2  }
0xaf: {  	[dreg:$0x3] =	wrdreg s24  }
0xb0: {  	[dreg:$0x4] =	wrdreg $0x9  }
0xb1: {  	_ =	task.clear_ibuf [dreg:s7], $0x5FFFF;
	_ =	strace $0x90000046  }
0xb2: {  	s29 =	simm.s32 $0x9;
	_ =	strace $0x80000048  }
0xb3: {  	_ =	swait.ge [sflag:s29], $0x1  }
0xb4: {  	[sflag:s29] =	ssyncadd.s32 $0xFFFFFFFF  }
0xb5: {  	_ =	strace $0x90000048  }
0xb6: {  	_ =	sfence  }
0xb7: {  	s30 =	sld [smem:$0x0];
	_ =	sdelay $0x2  }
0xb8: {  	s31 =	sshll.u32 s1, $0xD;
	s1 =	sshrl.u32 s1, $0x2  }
0xb9: {  	s3 =	sand.u32 $0x4000, s31;
	s1 =	sadd.s32 s1, s30  }
0xba: {  	s0 =	sor.u32 s3, s0;
	s1 =	sshll.u32 s1, $0x11  }
0xbb: {  	s0 =	sor.u32 s1, s0  }
0xbc: {  	s0 =	sadd.s32 $0x8F2B, s0  }
0xbd: {  	[sflag:s0] =	ssyncadd.remote.s32 $0x1  }
0xbe: {  	_ =	sfence.sel $0xFFFF  }
0xbf: {  	[dreg:$0x0] =	wrdreg $0xFFFFFFFF;
	(pc) =	sbr.abs _section_cstart, $3  }
0xc0: {  	[dreg:$0x1] =	wrdreg $0xFFFFFFFF  }
0xc1: {  	_ =	task.clear_ibuf [dreg:s7], $0x2FFFF;
	_ =	strace $0x9FFFFFFF  }
0xc2: {  	(tm) =	ssettm $0x7FFFFFFF  }
0xc3: {  	_ =	shalt  }
tec
execute0_lowered:
.L_overlay_start_1:
0x0: {  	(tag) =	ssettag $0x1  }
0x1: {  	s1 =	srdreg.scid;
	s0 =	stileid.u32  }
0x2: {  	s5 =	sand.u32 $0x1, s1;
	s6 =	sshll.u32 s0, $0x1  }
0x3: {  	s6 =	sor.u32 s5, s6  }
0x4: {  	p0 =	sgt.u32 s6, $0x18  }
.Ltmp0:
0x5: {  	_ = 	snop;
	(pc) =	sbr.rel @p0 .LBB2_5-.Ltmp0, $4  }
0x6: {  	s2 =	rddreg [dreg:$0x0]  }
0x7: {  	s4 =	rddreg [dreg:$0x1];
	s3 =	simm.s32 $0x0  }
0x8: {  	[smem:$0x7FF] =	sst s3  }
0x9: {  	s1 =	rddreg [dreg:$0x2];
	_ =	strace $0x80000047  }
0xa: {  	s8 =	smul.u32 $0x9C40, s6  }
0xb: {  	s29 =	smul.u32 $0x13880, s6  }
0xc: {  	s7 =	sadd.s32 $0xDC00, s4;
	s9 =	sadd.s32 $0x31B000, s4;
	s11 =	smul.u32 $0x27100, s0  }
0xd: {  	s28 =	ssub.s32 $0x2, s5;
	s30 =	smul.u32 $0x13880, s5;
	s12 =	simm.s32 $0xCE40  }
0xe: {  	s13 =	simm.s32 $0x1;
	s14 =	simm.s32 $0x2;
	s15 =	simm.s32 $0x3  }
0xf: {  	s16 =	simm.s32 $0x4;
	s17 =	simm.s32 $0x0;
	s10 =	sshrl.u32 s28, $0x1  }
0x10: {  	s8 =	sshrl.u32 s8, $0x3;
	s10 =	ssub.s32 s28, s10;
	s31 =	sadd.s32 s9, s29  }
0x11: {  	s9 =	sadd.s32 s11, s9;
	s11 =	simm.s32 $0x9C40;
	s4 =	sadd.s32 s7, s8  }
0x12: {  	s5 =	smax.u32 s10, $0x1;
	s6 =	sadd.s32 $0x12C00, s31;
	s7 =	sadd.s32 $0x13240, s31  }
0x13: {  	s8 =	sadd.s32 s30, s9;
	s9 =	simm.s32 $0x5;
	s10 =	simm.s32 $0x320  }
.LBB2_2:
0x14: {  	s18 =	simm.s32 $0x0  }
0x15: {  	[tilespmem:s18], [sflag:$0x5] =	stream.linear.gather [hbm4b:s4+s18], $0x9C40, $0x38;
	[tilespmem:$0x10040] =	vst v63  }
0x16: {  	_ =	swait.ge [sflag:s9], $0x9C40  }
0x17: {  	[sflag:s9] =	ssyncset.done $0x0  }
0x18: {  	[sflag:s9] =	ssyncadd.s32 $0xFFFF63C0  }
0x19: {  	[tilespmem:s11], [sflag:$0x1] =	stream.indirect.gather [hbm4b:s2+s10], $0x10, s18, s10, $0xb8;
	[tilespmem:$0x10040] =	vst v63  }
0x1a: {  	_ = 	snop  }
0x1b: {  	[tilespmem:s12], [sflag:$0x2] =	stream.indirect.gather [hbm4b:s2+s10], $0x10, s10, s10, $0xb8;
	[tilespmem:$0x10040] =	vst v63  }
0x1c: {  	_ =	swait.ge [sflag:s13], $0x3200  }
0x1d: {  	[sflag:s13] =	ssyncset.done $0x0  }
0x1e: {  	s30 =	sadd.s32 $0x0, s8;
	[sflag:s13] =	ssyncadd.s32 $0xFFFFCE00  }
0x1f: {  	[hbm4b:s30+s3] =	stream.linear.scatter [tilespmem:s11], [sflag:$0x3], $0x3200, $0x38;
	[tilespmem:$0x10040] =	vst v63  }
0x20: {  	_ =	swait.ge [sflag:s14], $0x3200  }
0x21: {  	[sflag:s14] =	ssyncset.done $0x0  }
0x22: {  	s18 =	sadd.s32 $0x640, s30;
	[sflag:s14] =	ssyncadd.s32 $0xFFFFCE00  }
0x23: {  	[hbm4b:s18+s3] =	stream.linear.scatter [tilespmem:s12], [sflag:$0x4], $0x3200, $0x38;
	[tilespmem:$0x10040] =	vst v63  }
0x24: {  	_ =	swait.ge [sflag:s15], $0x3200  }
0x25: {  	[sflag:s15] =	ssyncset.done $0x0  }
0x26: {  	s31 =	simm.s32 $0x640;
	[sflag:s15] =	ssyncadd.s32 $0xFFFFCE00  }
0x27: {  	[tilespmem:s11], [sflag:$0x1] =	stream.indirect.gather [hbm4b:s2+s10], $0x10, s31, s10, $0xb8;
	[tilespmem:$0x10040] =	vst v63  }
0x28: {  	_ =	swait.ge [sflag:s16], $0x3200  }
0x29: {  	s19 =	simm.s32 $0xC80;
	[sflag:s16] =	ssyncset.done $0x0  }
0x2a: {  	s20 =	simm.s32 $0xFA0;
	s18 =	simm.s32 $0x960;
	[sflag:s16] =	ssyncadd.s32 $0xFFFFCE00  }
.LBB2_3:
0x2b: {  	[tilespmem:s12], [sflag:$0x2] =	stream.indirect.gather [hbm4b:s2+s10], $0x10, s18, s10, $0xb8;
	[tilespmem:$0x10040] =	vst v63  }
0x2c: {  	s21 =	smov.u32 s19;
	s18 =	smov.u32 s20  }
0x2d: {  	p0 =	sne.s32 s19, $0x11F80;
	s19 =	sadd.s32 $0xC80, s19;
	_ =	swait.ge [sflag:s13], $0x3200  }
0x2e: {  	[sflag:s13] =	ssyncset.done $0x0  }
0x2f: {  	s21 =	sadd.s32 s21, s8;
	[sflag:s13] =	ssyncadd.s32 $0xFFFFCE00  }
0x30: {  	[hbm4b:s21+s3] =	stream.linear.scatter [tilespmem:s11], [sflag:$0x3], $0x3200, $0x38;
	[tilespmem:$0x10040] =	vst v63  }
0x31: {  	_ =	swait.ge [sflag:s14], $0x3200  }
0x32: {  	[sflag:s14] =	ssyncset.done $0x0  }
0x33: {  	s21 =	sadd.s32 $0x640, s21;
	[sflag:s14] =	ssyncadd.s32 $0xFFFFCE00  }
0x34: {  	[hbm4b:s21+s3] =	stream.linear.scatter [tilespmem:s12], [sflag:$0x4], $0x3200, $0x38;
	[tilespmem:$0x10040] =	vst v63  }
0x35: {  	_ =	swait.ge [sflag:s15], $0x3200  }
0x36: {  	[sflag:s15] =	ssyncset.done $0x0  }
.Ltmp1:
0x37: {  	s21 =	sadd.s32 $0xFFFFFCE0, s20;
	[sflag:s15] =	ssyncadd.s32 $0xFFFFCE00;
	(pc) =	sbr.rel @p0 .LBB2_3-.Ltmp1, $4  }
0x38: {  	[tilespmem:s11], [sflag:$0x1] =	stream.indirect.gather [hbm4b:s2+s10], $0x10, s21, s10, $0xb8;
	[tilespmem:$0x10040] =	vst v63  }
0x39: {  	_ =	swait.ge [sflag:s16], $0x3200  }
0x3a: {  	[sflag:s16] =	ssyncset.done $0x0  }
0x3b: {  	s20 =	sadd.s32 $0x640, s20;
	[sflag:s16] =	ssyncadd.s32 $0xFFFFCE00  }
0x3c: {  	[tilespmem:s12], [sflag:$0x2] =	stream.indirect.gather [hbm4b:s2+s10], $0x10, s18, s10, $0xb8;
	[tilespmem:$0x10040] =	vst v63  }
0x3d: {  	_ =	swait.ge [sflag:s13], $0x3200  }
0x3e: {  	[sflag:s13] =	ssyncset.done $0x0  }
0x3f: {  	[sflag:s13] =	ssyncadd.s32 $0xFFFFCE00  }
0x40: {  	[hbm4b:s6+s3] =	stream.linear.scatter [tilespmem:s11], [sflag:$0x3], $0x3200, $0x38;
	[tilespmem:$0x10040] =	vst v63  }
0x41: {  	_ =	swait.ge [sflag:s14], $0x3200  }
0x42: {  	[sflag:s14] =	ssyncset.done $0x0  }
0x43: {  	s17 =	sadd.s32 $0x1, s17;
	[sflag:s14] =	ssyncadd.s32 $0xFFFFCE00  }
0x44: {  	[hbm4b:s7+s3] =	stream.linear.scatter [tilespmem:s12], [sflag:$0x4], $0x3200, $0x38;
	[tilespmem:$0x10040] =	vst v63  }
0x45: {  	p0 =	sne.s32 s17, s5;
	_ =	swait.ge [sflag:s15], $0x3200  }
.Ltmp2:
0x46: {  	[sflag:s15] =	ssyncset.done $0x0;
	(pc) =	sbr.rel @p0 .LBB2_2-.Ltmp2, $4  }
0x47: {  	[sflag:s15] =	ssyncadd.s32 $0xFFFFCE00  }
0x48: {  	_ =	swait.ge [sflag:s16], $0x3200  }
0x49: {  	[sflag:s16] =	ssyncset.done $0x0  }
0x4a: {  	[sflag:s16] =	ssyncadd.s32 $0xFFFFCE00  }
.LBB2_5:
0x4b: {  	_ =	sfence.sel $0x180000  }
0x4c: {  	[bflag:$0x0] =	sbarrier.arrive $0xFFFF  }
0x4d: {  	p0 =	sne.s32 s0, $0x0;
	_ =	strace $0x90000047  }
0x4e: {  	s0 =	sadd.s32 @!p0 $0x100000, s1;
	[bflag:$0x2] =	sbarrier.arrive $0xFFFF  }
0x4f: {  	[sflag:s0] =	ssyncadd.tile.s32 @!p0 $0x1;
	_ =	shalt  }
.Lfunc_end2:
_tile_overlayer_lowered:
.L_overlay_start_2:
0x50: {  	(tag) =	ssettag $0x2  }
0x51: {  	s0 =	rddreg [dreg:$0x0];
	s2 =	stileid.u32  }
0x52: {  	s1 =	rddreg [dreg:$0x1];
	p0 =	sne.s32 s2, $0x0  }
0x53: {  	s3 =	rddreg [dreg:$0x2];
	[bflag:$0x3] =	sbarrier.arrive $0xFFFF;
	s2 =	simm.s32 @!p0 $0x1C05  }
0x54: {  	[timem:s3], [sflag:s2] =	dma.local @!p0 [hbm:s0], s1  }
0x55: {  	s0 =	simm.s32 @!p0 $0x5  }
0x56: {  	_ =	swait.ge @!p0 [sflag:s0], s1  }
0x57: {  	s1 =	ssub.s32 @!p0 $0x0, s1;
	[sflag:s0] =	ssyncset.done @!p0 $0x0  }
0x58: {  	[sflag:s0] =	ssyncadd.s32 @!p0 s1  }
0x59: {  	[bflag:$0x3] =	sbarrier.arrive $0xFFFF  }
0x5a: {  	_ =	shalt  }

// kernel: kernel.13.cloned.1.call-start
scs
__scs_entry_jumppad:
0x0: {  	(pc) =	sbr.rel $0x88, $3  }
0x1: {  	(tag) =	ssettag $0x0;
	lr =	simm.s32 $0x1  }
0x2: {  	[smem:$0x3F57] =	sst lr;
	_ =	strace $0xD0000000  }
0x3: {  	_ = 	snop  }
0x4: {  	_ = 	snop  }
0x5: {  	_ = 	snop  }
0x6: {  	_ = 	snop  }
0x7: {  	_ = 	snop  }
__scs_overlays_trampoline_lowered:
0x8: {  	[smem:$0x3F66] =	sst s0  }
0x9: {  	[smem:$0x3F67] =	sst s1  }
0xa: {  	[smem:$0x3F68] =	sst s2  }
0xb: {  	[smem:$0x3F69] =	sst s3  }
0xc: {  	[smem:$0x3F6A] =	sst s4  }
0xd: {  	[smem:$0x3F6B] =	sst s5  }
0xe: {  	[smem:$0x3F6C] =	sst s6  }
0xf: {  	[smem:$0x3F6D] =	sst s7  }
0x10: {  	[smem:$0x3F6E] =	sst s8  }
0x11: {  	[smem:$0x3F6F] =	sst s9;
	s0 =	simm.s32 @!p0 $0x0  }
0x12: {  	s1 =	sld [smem:$0x3F55];
	s0 =	simm.s32 @p0 $0x1  }
0x13: {  	[smem:$0x3F70] =	sst s0;
	s0 =	simm.s32 @!p1 $0x0  }
0x14: {  	s2 =	sld [smem:$0x3F54];
	s0 =	simm.s32 @p1 $0x1  }
0x15: {  	[smem:$0x3F71] =	sst s0;
	s0 =	simm.s32 @!p2 $0x0  }
0x16: {  	s3 =	sld [smem:$0x3FDB];
	s0 =	simm.s32 @p2 $0x1  }
0x17: {  	s4 =	simm.s32 $0x1BF5;
	[smem:$0x3F73] =	sst s0  }
0x18: {  	s0 =	sld [smem:$0x3F56];
	_ =	swait.ge [sflag:s4], $0x0  }
0x19: {  	s7 =	sld [smem:$0x3F57]  }
0x1a: {  	s8 =	sadd.s32 $0xFFFFE003, lr  }
0x1b: {  	s9 =	sadd.s32 $0xFFFFFEF7, lr;
	s5 =	simm.s32 $0xFFFFFFFF;
	p2 =	slt.u32 s8, $0xFFFFF086  }
0x1c: {  	p1 =	slt.u32 s9, $0xF7A;
	s5 =	simm.s32 @!p2 $0x0  }
0x1d: {  	s5 =	simm.s32 @p1 $0x1;
	p0 =	seq.s32 s7, s2  }
0x1e: {  	s7 =	smul.u32 @!p0 $0xF7A, s2;
	p2 =	seq.s32 @!p0 s5, $0x0  }
0x1f: {  	s9 =	smul.u32 $0xF7A, s1;
	s8 =	simm.s32 @!p0 $0x1BF5;
	p2 =	por !p2, p0  }
0x20: {  	[sflag:s8] =	ssyncset.s32 @!p0 $0xFFFFF086;
	s6 =	sadd.s32 @!p0 s3, s7;
	s7 =	simm.s32 @!p0 $0x108  }
0x21: {  	s3 =	sadd.s32 s3, s9;
	s6 =	sadd.s32 @!p0 $0x88, s6;
	s7 =	simm.s32 @p2 $0x1082  }
0x22: {  	[simem:s7], [sflag:s8] =	dma.local @!p0 [hbm:s6], $0xF7A  }
0x23: {  	s9 =	sor.u32 $0xD0000000, s2;
	s6 =	simm.s32 $0x108;
	_ =	swait.ge @!p0 [sflag:s8], $0x0  }
0x24: {  	s3 =	sadd.s32 $0x88, s3;
	s6 =	simm.s32 @!p1 $0x1082;
	[sflag:s4] =	ssyncset.s32 $0xFFFFF086  }
0x25: {  	[simem:s6], [sflag:s4] =	dma.local [hbm:s3], $0xF7A  }
0x26: {  	[smem:$0x3F57] =	sst s1;
	(tag) =	ssettag s2;
	_ =	strace s9  }
0x27: {  	s1 =	sld [smem:$0x3F67]  }
0x28: {  	s2 =	sld [smem:$0x3F68]  }
0x29: {  	s4 =	sld [smem:$0x3F6A]  }
0x2a: {  	p0 =	seq.s32 s5, $0x0;
	s5 =	sld [smem:$0x3F6B]  }
0x2b: {  	s6 =	sld [smem:$0x3F6C]  }
0x2c: {  	s7 =	sld [smem:$0x3F6D]  }
0x2d: {  	s3 =	simm.s32 $0x108;
	s8 =	sld [smem:$0x3F6E]  }
0x2e: {  	s3 =	simm.s32 @!p0 $0x1082;
	s9 =	sld [smem:$0x3F6F]  }
0x2f: {  	lr =	sadd.s32 s0, s3;
	s0 =	sld [smem:$0x3F66]  }
0x30: {  	s3 =	sld [smem:$0x3F69]  }
0x31: {  	[smem:$0x3F72] =	sst s10  }
0x32: {  	s10 =	sld [smem:$0x3F70];
	_ =	sdelay $0x3  }
0x33: {  	p0 =	seq.s32 s10, $0x1;
	s10 =	sld [smem:$0x3F72];
	_ =	sdelay $0x3  }
0x34: {  	[smem:$0x3F72] =	sst s10  }
0x35: {  	s10 =	sld [smem:$0x3F71];
	_ =	sdelay $0x3  }
0x36: {  	p1 =	seq.s32 s10, $0x1;
	s10 =	sld [smem:$0x3F72];
	_ =	sdelay $0x3  }
0x37: {  	[smem:$0x3F72] =	sst s10  }
0x38: {  	s10 =	sld [smem:$0x3F73]  }
0x39: {  	_ = 	snop;
	(pc) =	sbr.ind lr, $3  }
0x3a: {  	_ = 	snop  }
0x3b: {  	_ = 	snop  }
0x3c: {  	p2 =	seq.s32 s10, $0x1;
	s10 =	sld [smem:$0x3F72]  }
0x3d: {  	_ =	shalt  }
0x3e: {  	_ =	shalt  }
0x3f: {  	_ =	shalt  }
0x40: {  	_ =	shalt  }
0x41: {  	_ =	shalt  }
0x42: {  	_ =	shalt  }
0x43: {  	_ =	shalt  }
0x44: {  	_ =	shalt  }
0x45: {  	_ =	shalt  }
0x46: {  	_ =	shalt  }
0x47: {  	_ =	shalt  }
0x48: {  	_ =	shalt  }
0x49: {  	_ =	shalt  }
0x4a: {  	_ =	shalt  }
0x4b: {  	_ =	shalt  }
0x4c: {  	_ =	shalt  }
0x4d: {  	_ =	shalt  }
0x4e: {  	_ =	shalt  }
0x4f: {  	_ =	shalt  }
0x50: {  	_ =	shalt  }
0x51: {  	_ =	shalt  }
0x52: {  	_ =	shalt  }
0x53: {  	_ =	shalt  }
0x54: {  	_ =	shalt  }
0x55: {  	_ =	shalt  }
0x56: {  	_ =	shalt  }
0x57: {  	_ =	shalt  }
0x58: {  	_ =	shalt  }
0x59: {  	_ =	shalt  }
0x5a: {  	_ =	shalt  }
0x5b: {  	_ =	shalt  }
0x5c: {  	_ =	shalt  }
0x5d: {  	_ =	shalt  }
0x5e: {  	_ =	shalt  }
0x5f: {  	_ =	shalt  }
0x60: {  	_ =	shalt  }
0x61: {  	_ =	shalt  }
0x62: {  	_ =	shalt  }
0x63: {  	_ =	shalt  }
0x64: {  	_ =	shalt  }
0x65: {  	_ =	shalt  }
0x66: {  	_ =	shalt  }
0x67: {  	_ =	shalt  }
0x68: {  	_ =	shalt  }
0x69: {  	_ =	shalt  }
0x6a: {  	_ =	shalt  }
0x6b: {  	_ =	shalt  }
0x6c: {  	_ =	shalt  }
0x6d: {  	_ =	shalt  }
0x6e: {  	_ =	shalt  }
0x6f: {  	_ =	shalt  }
0x70: {  	_ =	shalt  }
0x71: {  	_ =	shalt  }
0x72: {  	_ =	shalt  }
0x73: {  	_ =	shalt  }
0x74: {  	_ =	shalt  }
0x75: {  	_ =	shalt  }
0x76: {  	_ =	shalt  }
0x77: {  	_ =	shalt  }
0x78: {  	_ =	shalt  }
0x79: {  	_ =	shalt  }
0x7a: {  	_ =	shalt  }
0x7b: {  	_ =	shalt  }
0x7c: {  	_ =	shalt  }
0x7d: {  	_ =	shalt  }
0x7e: {  	_ =	shalt  }
0x7f: {  	_ =	shalt  }
0x80: {  	_ =	shalt  }
0x81: {  	_ =	shalt  }
0x82: {  	_ =	shalt  }
0x83: {  	_ =	shalt  }
0x84: {  	_ =	shalt  }
0x85: {  	_ =	shalt  }
0x86: {  	_ =	shalt  }
0x87: {  	_ =	shalt  }
.Lfunc_end0:
.L_simem_size_0:
called_computation.1_lowered:
.L_overlay_start_0:
0x88: {  	s2 =	sld [smem:$0x3FD9]  }
0x89: {  	s3 =	sld [smem:$0x3FFE];
	_ =	sdelay $0x1  }
0x8a: {  	s1 =	srdreg.scid  }
0x8b: {  	s0 =	sand.u32 $0x1, s1  }
0x8c: {  	s17 =	sshll.u32 s0, $0xA;
	s2 =	sadd.s32 s3, s2  }
0x8d: {  	s2 =	sadd.s32 s2, s17  }
0x8e: {  	[smem:$0x3F7E] =	sst s2  }
0x8f: {  	_ = 	snop  }
0x90: {  	s2 =	sld [smem:$0x3FD0];
	(tm) =	ssettm $0x1  }
0x91: {  	s18 =	sld [smem:$0x3FFB];
	_ =	sdelay $0x3  }
0x92: {  	_ =	strace s18  }
0x93: {  	s3 =	sld [smem:$0x3FFC];
	_ =	sdelay $0x3  }
0x94: {  	_ =	strace s3  }
0x95: {  	s3 =	sld [smem:$0x3FFD];
	_ =	sdelay $0x3  }
0x96: {  	_ =	strace s3  }
0x97: {  	_ =	strace $0x8FFFFFFF  }
0x98: {  	s19 =	sld [smem:$0x3FDB];
	_ =	sdelay $0x1  }
0x99: {  	s4 =	simm.s32 $_scs_section_size  }
0x9a: {  	s5 =	simm.s32 $_size__tile_overlayer_lowered;
	s6 =	simm.s32 $_tile_overlayer_lowered  }
0x9b: {  	s22 =	simm.s32 $0x1BFF;
	s21 =	sshll.u32 s6, $0x1;
	s3 =	sadd.s32 s4, s19  }
0x9c: {  	s7 =	simm.s32 $0x0;
	s20 =	sshll.u32 s5, $0x1;
	s5 =	sadd.s32 s21, s3  }
0x9d: {  	[timem:s7], [sflag:s22] =	dma.local [hbm:s5], s20  }
0x9e: {  	_ =	swait.ge [sflag:s22], s20  }
0x9f: {  	s4 =	ssub.s32 $0x0, s20;
	[sflag:s22] =	ssyncset.done $0x0  }
0xa0: {  	[sflag:s22] =	ssyncadd.s32 s4;
	_ =	sdelay $0x1  }
0xa1: {  	s23 =	simm.s32 $0x1B8B  }
0xa2: {  	_ =	swait.ge [sflag:s23], $0x1  }
0xa3: {  	[sflag:s23] =	ssyncset.done $0x0  }
0xa4: {  	s25 =	simm.s32 $0x1B8E;
	s24 =	sld [smem:$0x3FFE];
	[sflag:s23] =	ssyncadd.s32 $0xFFFFFFFF  }
0xa5: {  	s26 =	simm.s32 $execute0_lowered;
	[smem:$0x3FD2] =	sst s25  }
0xa6: {  	s5 =	sshll.u32 s26, $0x1;
	_ =	strace $0x80000049;
	[dreg:$0x1] =	wrdreg $0xFFFFFFFF  }
0xa7: {  	s28 =	simm.s32 $_size_execute0_lowered;
	s3 =	sadd.s32 s3, s5;
	[dreg:$0x0] =	wrdreg $0x0  }
0xa8: {  	s5 =	sshll.u32 s28, $0x1;
	[dreg:$0x2] =	wrdreg s3  }
0xa9: {  	[dreg:$0x3] =	wrdreg s5  }
0xaa: {  	[dreg:$0x4] =	wrdreg $0xC0  }
0xab: {  	_ =	task [dreg:s7], $0x5FFFF  }
0xac: {  	[dreg:$0x1] =	wrdreg $0xFFFFFFFF  }
0xad: {  	[dreg:$0x0] =	wrdreg $0x60  }
0xae: {  	[dreg:$0x2] =	wrdreg s2  }
0xaf: {  	[dreg:$0x3] =	wrdreg s24  }
0xb0: {  	[dreg:$0x4] =	wrdreg $0x9  }
0xb1: {  	_ =	task.clear_ibuf [dreg:s7], $0x5FFFF;
	_ =	strace $0x90000049  }
0xb2: {  	s29 =	simm.s32 $0x9;
	_ =	strace $0x8000004B  }
0xb3: {  	_ =	swait.ge [sflag:s29], $0x1  }
0xb4: {  	[sflag:s29] =	ssyncadd.s32 $0xFFFFFFFF  }
0xb5: {  	_ =	strace $0x9000004B  }
0xb6: {  	_ =	sfence  }
0xb7: {  	s30 =	sld [smem:$0x0];
	_ =	sdelay $0x2  }
0xb8: {  	s31 =	sshll.u32 s1, $0xD;
	s1 =	sshrl.u32 s1, $0x2  }
0xb9: {  	s3 =	sand.u32 $0x4000, s31;
	s1 =	sadd.s32 s1, s30  }
0xba: {  	s0 =	sor.u32 s3, s0;
	s1 =	sshll.u32 s1, $0x11  }
0xbb: {  	s0 =	sor.u32 s1, s0  }
0xbc: {  	s0 =	sadd.s32 $0x8F2B, s0  }
0xbd: {  	[sflag:s0] =	ssyncadd.remote.s32 $0x1  }
0xbe: {  	_ =	sfence.sel $0xFFFF  }
0xbf: {  	[dreg:$0x0] =	wrdreg $0xFFFFFFFF;
	(pc) =	sbr.abs _section_cstart, $3  }
0xc0: {  	[dreg:$0x1] =	wrdreg $0xFFFFFFFF  }
0xc1: {  	_ =	task.clear_ibuf [dreg:s7], $0x2FFFF;
	_ =	strace $0x9FFFFFFF  }
0xc2: {  	(tm) =	ssettm $0x7FFFFFFF  }
0xc3: {  	_ =	shalt  }
tec
execute0_lowered:
.L_overlay_start_1:
0x0: {  	(tag) =	ssettag $0x1  }
0x1: {  	s1 =	srdreg.scid;
	s0 =	stileid.u32  }
0x2: {  	s5 =	sand.u32 $0x1, s1;
	s6 =	sshll.u32 s0, $0x1  }
0x3: {  	s6 =	sor.u32 s5, s6  }
0x4: {  	p0 =	sgt.u32 s6, $0x18  }
.Ltmp0:
0x5: {  	_ = 	snop;
	(pc) =	sbr.rel @p0 .LBB2_5-.Ltmp0, $4  }
0x6: {  	s2 =	rddreg [dreg:$0x0]  }
0x7: {  	s4 =	rddreg [dreg:$0x1];
	s3 =	simm.s32 $0x0  }
0x8: {  	[smem:$0x7FF] =	sst s3  }
0x9: {  	s1 =	rddreg [dreg:$0x2];
	_ =	strace $0x8000004A  }
0xa: {  	s8 =	smul.u32 $0x9C40, s6  }
0xb: {  	s29 =	smul.u32 $0x13880, s6  }
0xc: {  	s7 =	sadd.s32 $0xDC00, s4;
	s9 =	sadd.s32 $0x4A1A00, s4;
	s11 =	smul.u32 $0x27100, s0  }
0xd: {  	s28 =	ssub.s32 $0x2, s5;
	s30 =	smul.u32 $0x13880, s5;
	s12 =	simm.s32 $0xCE40  }
0xe: {  	s13 =	simm.s32 $0x1;
	s14 =	simm.s32 $0x2;
	s15 =	simm.s32 $0x3  }
0xf: {  	s16 =	simm.s32 $0x4;
	s17 =	simm.s32 $0x0;
	s10 =	sshrl.u32 s28, $0x1  }
0x10: {  	s8 =	sshrl.u32 s8, $0x3;
	s10 =	ssub.s32 s28, s10;
	s31 =	sadd.s32 s9, s29  }
0x11: {  	s9 =	sadd.s32 s11, s9;
	s11 =	simm.s32 $0x9C40;
	s4 =	sadd.s32 s7, s8  }
0x12: {  	s5 =	smax.u32 s10, $0x1;
	s6 =	sadd.s32 $0x12C00, s31;
	s7 =	sadd.s32 $0x13240, s31  }
0x13: {  	s8 =	sadd.s32 s30, s9;
	s9 =	simm.s32 $0x5;
	s10 =	simm.s32 $0x320  }
.LBB2_2:
0x14: {  	s18 =	simm.s32 $0x0  }
0x15: {  	[tilespmem:s18], [sflag:$0x5] =	stream.linear.gather [hbm4b:s4+s18], $0x9C40, $0x38;
	[tilespmem:$0x10040] =	vst v63  }
0x16: {  	_ =	swait.ge [sflag:s9], $0x9C40  }
0x17: {  	[sflag:s9] =	ssyncset.done $0x0  }
0x18: {  	[sflag:s9] =	ssyncadd.s32 $0xFFFF63C0  }
0x19: {  	[tilespmem:s11], [sflag:$0x1] =	stream.indirect.gather [hbm4b:s2+s10], $0x10, s18, s10, $0xb8;
	[tilespmem:$0x10040] =	vst v63  }
0x1a: {  	_ = 	snop  }
0x1b: {  	[tilespmem:s12], [sflag:$0x2] =	stream.indirect.gather [hbm4b:s2+s10], $0x10, s10, s10, $0xb8;
	[tilespmem:$0x10040] =	vst v63  }
0x1c: {  	_ =	swait.ge [sflag:s13], $0x3200  }
0x1d: {  	[sflag:s13] =	ssyncset.done $0x0  }
0x1e: {  	s30 =	sadd.s32 $0x0, s8;
	[sflag:s13] =	ssyncadd.s32 $0xFFFFCE00  }
0x1f: {  	[hbm4b:s30+s3] =	stream.linear.scatter [tilespmem:s11], [sflag:$0x3], $0x3200, $0x38;
	[tilespmem:$0x10040] =	vst v63  }
0x20: {  	_ =	swait.ge [sflag:s14], $0x3200  }
0x21: {  	[sflag:s14] =	ssyncset.done $0x0  }
0x22: {  	s18 =	sadd.s32 $0x640, s30;
	[sflag:s14] =	ssyncadd.s32 $0xFFFFCE00  }
0x23: {  	[hbm4b:s18+s3] =	stream.linear.scatter [tilespmem:s12], [sflag:$0x4], $0x3200, $0x38;
	[tilespmem:$0x10040] =	vst v63  }
0x24: {  	_ =	swait.ge [sflag:s15], $0x3200  }
0x25: {  	[sflag:s15] =	ssyncset.done $0x0  }
0x26: {  	s31 =	simm.s32 $0x640;
	[sflag:s15] =	ssyncadd.s32 $0xFFFFCE00  }
0x27: {  	[tilespmem:s11], [sflag:$0x1] =	stream.indirect.gather [hbm4b:s2+s10], $0x10, s31, s10, $0xb8;
	[tilespmem:$0x10040] =	vst v63  }
0x28: {  	_ =	swait.ge [sflag:s16], $0x3200  }
0x29: {  	s19 =	simm.s32 $0xC80;
	[sflag:s16] =	ssyncset.done $0x0  }
0x2a: {  	s20 =	simm.s32 $0xFA0;
	s18 =	simm.s32 $0x960;
	[sflag:s16] =	ssyncadd.s32 $0xFFFFCE00  }
.LBB2_3:
0x2b: {  	[tilespmem:s12], [sflag:$0x2] =	stream.indirect.gather [hbm4b:s2+s10], $0x10, s18, s10, $0xb8;
	[tilespmem:$0x10040] =	vst v63  }
0x2c: {  	s21 =	smov.u32 s19;
	s18 =	smov.u32 s20  }
0x2d: {  	p0 =	sne.s32 s19, $0x11F80;
	s19 =	sadd.s32 $0xC80, s19;
	_ =	swait.ge [sflag:s13], $0x3200  }
0x2e: {  	[sflag:s13] =	ssyncset.done $0x0  }
0x2f: {  	s21 =	sadd.s32 s21, s8;
	[sflag:s13] =	ssyncadd.s32 $0xFFFFCE00  }
0x30: {  	[hbm4b:s21+s3] =	stream.linear.scatter [tilespmem:s11], [sflag:$0x3], $0x3200, $0x38;
	[tilespmem:$0x10040] =	vst v63  }
0x31: {  	_ =	swait.ge [sflag:s14], $0x3200  }
0x32: {  	[sflag:s14] =	ssyncset.done $0x0  }
0x33: {  	s21 =	sadd.s32 $0x640, s21;
	[sflag:s14] =	ssyncadd.s32 $0xFFFFCE00  }
0x34: {  	[hbm4b:s21+s3] =	stream.linear.scatter [tilespmem:s12], [sflag:$0x4], $0x3200, $0x38;
	[tilespmem:$0x10040] =	vst v63  }
0x35: {  	_ =	swait.ge [sflag:s15], $0x3200  }
0x36: {  	[sflag:s15] =	ssyncset.done $0x0  }
.Ltmp1:
0x37: {  	s21 =	sadd.s32 $0xFFFFFCE0, s20;
	[sflag:s15] =	ssyncadd.s32 $0xFFFFCE00;
	(pc) =	sbr.rel @p0 .LBB2_3-.Ltmp1, $4  }
0x38: {  	[tilespmem:s11], [sflag:$0x1] =	stream.indirect.gather [hbm4b:s2+s10], $0x10, s21, s10, $0xb8;
	[tilespmem:$0x10040] =	vst v63  }
0x39: {  	_ =	swait.ge [sflag:s16], $0x3200  }
0x3a: {  	[sflag:s16] =	ssyncset.done $0x0  }
0x3b: {  	s20 =	sadd.s32 $0x640, s20;
	[sflag:s16] =	ssyncadd.s32 $0xFFFFCE00  }
0x3c: {  	[tilespmem:s12], [sflag:$0x2] =	stream.indirect.gather [hbm4b:s2+s10], $0x10, s18, s10, $0xb8;
	[tilespmem:$0x10040] =	vst v63  }
0x3d: {  	_ =	swait.ge [sflag:s13], $0x3200  }
0x3e: {  	[sflag:s13] =	ssyncset.done $0x0  }
0x3f: {  	[sflag:s13] =	ssyncadd.s32 $0xFFFFCE00  }
0x40: {  	[hbm4b:s6+s3] =	stream.linear.scatter [tilespmem:s11], [sflag:$0x3], $0x3200, $0x38;
	[tilespmem:$0x10040] =	vst v63  }
0x41: {  	_ =	swait.ge [sflag:s14], $0x3200  }
0x42: {  	[sflag:s14] =	ssyncset.done $0x0  }
0x43: {  	s17 =	sadd.s32 $0x1, s17;
	[sflag:s14] =	ssyncadd.s32 $0xFFFFCE00  }
0x44: {  	[hbm4b:s7+s3] =	stream.linear.scatter [tilespmem:s12], [sflag:$0x4], $0x3200, $0x38;
	[tilespmem:$0x10040] =	vst v63  }
0x45: {  	p0 =	sne.s32 s17, s5;
	_ =	swait.ge [sflag:s15], $0x3200  }
.Ltmp2:
0x46: {  	[sflag:s15] =	ssyncset.done $0x0;
	(pc) =	sbr.rel @p0 .LBB2_2-.Ltmp2, $4  }
0x47: {  	[sflag:s15] =	ssyncadd.s32 $0xFFFFCE00  }
0x48: {  	_ =	swait.ge [sflag:s16], $0x3200  }
0x49: {  	[sflag:s16] =	ssyncset.done $0x0  }
0x4a: {  	[sflag:s16] =	ssyncadd.s32 $0xFFFFCE00  }
.LBB2_5:
0x4b: {  	_ =	sfence.sel $0x180000  }
0x4c: {  	[bflag:$0x0] =	sbarrier.arrive $0xFFFF  }
0x4d: {  	p0 =	sne.s32 s0, $0x0;
	_ =	strace $0x9000004A  }
0x4e: {  	s0 =	sadd.s32 @!p0 $0x100000, s1;
	[bflag:$0x2] =	sbarrier.arrive $0xFFFF  }
0x4f: {  	[sflag:s0] =	ssyncadd.tile.s32 @!p0 $0x1;
	_ =	shalt  }
.Lfunc_end2:
_tile_overlayer_lowered:
.L_overlay_start_2:
0x50: {  	(tag) =	ssettag $0x2  }
0x51: {  	s0 =	rddreg [dreg:$0x0];
	s2 =	stileid.u32  }
0x52: {  	s1 =	rddreg [dreg:$0x1];
	p0 =	sne.s32 s2, $0x0  }
0x53: {  	s3 =	rddreg [dreg:$0x2];
	[bflag:$0x3] =	sbarrier.arrive $0xFFFF;
	s2 =	simm.s32 @!p0 $0x1C05  }
0x54: {  	[timem:s3], [sflag:s2] =	dma.local @!p0 [hbm:s0], s1  }
0x55: {  	s0 =	simm.s32 @!p0 $0x5  }
0x56: {  	_ =	swait.ge @!p0 [sflag:s0], s1  }
0x57: {  	s1 =	ssub.s32 @!p0 $0x0, s1;
	[sflag:s0] =	ssyncset.done @!p0 $0x0  }
0x58: {  	[sflag:s0] =	ssyncadd.s32 @!p0 s1  }
0x59: {  	[bflag:$0x3] =	sbarrier.arrive $0xFFFF  }
0x5a: {  	_ =	shalt  }

// kernel: kernel.16.cloned.1.call-start
scs
__scs_entry_jumppad:
0x0: {  	(pc) =	sbr.rel $0x88, $3  }
0x1: {  	(tag) =	ssettag $0x0;
	lr =	simm.s32 $0x1  }
0x2: {  	[smem:$0x3F57] =	sst lr;
	_ =	strace $0xD0000000  }
0x3: {  	_ = 	snop  }
0x4: {  	_ = 	snop  }
0x5: {  	_ = 	snop  }
0x6: {  	_ = 	snop  }
0x7: {  	_ = 	snop  }
__scs_overlays_trampoline_lowered:
0x8: {  	[smem:$0x3F66] =	sst s0  }
0x9: {  	[smem:$0x3F67] =	sst s1  }
0xa: {  	[smem:$0x3F68] =	sst s2  }
0xb: {  	[smem:$0x3F69] =	sst s3  }
0xc: {  	[smem:$0x3F6A] =	sst s4  }
0xd: {  	[smem:$0x3F6B] =	sst s5  }
0xe: {  	[smem:$0x3F6C] =	sst s6  }
0xf: {  	[smem:$0x3F6D] =	sst s7  }
0x10: {  	[smem:$0x3F6E] =	sst s8  }
0x11: {  	[smem:$0x3F6F] =	sst s9;
	s0 =	simm.s32 @!p0 $0x0  }
0x12: {  	s1 =	sld [smem:$0x3F55];
	s0 =	simm.s32 @p0 $0x1  }
0x13: {  	[smem:$0x3F70] =	sst s0;
	s0 =	simm.s32 @!p1 $0x0  }
0x14: {  	s2 =	sld [smem:$0x3F54];
	s0 =	simm.s32 @p1 $0x1  }
0x15: {  	[smem:$0x3F71] =	sst s0;
	s0 =	simm.s32 @!p2 $0x0  }
0x16: {  	s3 =	sld [smem:$0x3FDB];
	s0 =	simm.s32 @p2 $0x1  }
0x17: {  	s4 =	simm.s32 $0x1BF5;
	[smem:$0x3F73] =	sst s0  }
0x18: {  	s0 =	sld [smem:$0x3F56];
	_ =	swait.ge [sflag:s4], $0x0  }
0x19: {  	s7 =	sld [smem:$0x3F57]  }
0x1a: {  	s8 =	sadd.s32 $0xFFFFE003, lr  }
0x1b: {  	s9 =	sadd.s32 $0xFFFFFEF7, lr;
	s5 =	simm.s32 $0xFFFFFFFF;
	p2 =	slt.u32 s8, $0xFFFFF086  }
0x1c: {  	p1 =	slt.u32 s9, $0xF7A;
	s5 =	simm.s32 @!p2 $0x0  }
0x1d: {  	s5 =	simm.s32 @p1 $0x1;
	p0 =	seq.s32 s7, s2  }
0x1e: {  	s7 =	smul.u32 @!p0 $0xF7A, s2;
	p2 =	seq.s32 @!p0 s5, $0x0  }
0x1f: {  	s9 =	smul.u32 $0xF7A, s1;
	s8 =	simm.s32 @!p0 $0x1BF5;
	p2 =	por !p2, p0  }
0x20: {  	[sflag:s8] =	ssyncset.s32 @!p0 $0xFFFFF086;
	s6 =	sadd.s32 @!p0 s3, s7;
	s7 =	simm.s32 @!p0 $0x108  }
0x21: {  	s3 =	sadd.s32 s3, s9;
	s6 =	sadd.s32 @!p0 $0x88, s6;
	s7 =	simm.s32 @p2 $0x1082  }
0x22: {  	[simem:s7], [sflag:s8] =	dma.local @!p0 [hbm:s6], $0xF7A  }
0x23: {  	s9 =	sor.u32 $0xD0000000, s2;
	s6 =	simm.s32 $0x108;
	_ =	swait.ge @!p0 [sflag:s8], $0x0  }
0x24: {  	s3 =	sadd.s32 $0x88, s3;
	s6 =	simm.s32 @!p1 $0x1082;
	[sflag:s4] =	ssyncset.s32 $0xFFFFF086  }
0x25: {  	[simem:s6], [sflag:s4] =	dma.local [hbm:s3], $0xF7A  }
0x26: {  	[smem:$0x3F57] =	sst s1;
	(tag) =	ssettag s2;
	_ =	strace s9  }
0x27: {  	s1 =	sld [smem:$0x3F67]  }
0x28: {  	s2 =	sld [smem:$0x3F68]  }
0x29: {  	s4 =	sld [smem:$0x3F6A]  }
0x2a: {  	p0 =	seq.s32 s5, $0x0;
	s5 =	sld [smem:$0x3F6B]  }
0x2b: {  	s6 =	sld [smem:$0x3F6C]  }
0x2c: {  	s7 =	sld [smem:$0x3F6D]  }
0x2d: {  	s3 =	simm.s32 $0x108;
	s8 =	sld [smem:$0x3F6E]  }
0x2e: {  	s3 =	simm.s32 @!p0 $0x1082;
	s9 =	sld [smem:$0x3F6F]  }
0x2f: {  	lr =	sadd.s32 s0, s3;
	s0 =	sld [smem:$0x3F66]  }
0x30: {  	s3 =	sld [smem:$0x3F69]  }
0x31: {  	[smem:$0x3F72] =	sst s10  }
0x32: {  	s10 =	sld [smem:$0x3F70];
	_ =	sdelay $0x3  }
0x33: {  	p0 =	seq.s32 s10, $0x1;
	s10 =	sld [smem:$0x3F72];
	_ =	sdelay $0x3  }
0x34: {  	[smem:$0x3F72] =	sst s10  }
0x35: {  	s10 =	sld [smem:$0x3F71];
	_ =	sdelay $0x3  }
0x36: {  	p1 =	seq.s32 s10, $0x1;
	s10 =	sld [smem:$0x3F72];
	_ =	sdelay $0x3  }
0x37: {  	[smem:$0x3F72] =	sst s10  }
0x38: {  	s10 =	sld [smem:$0x3F73]  }
0x39: {  	_ = 	snop;
	(pc) =	sbr.ind lr, $3  }
0x3a: {  	_ = 	snop  }
0x3b: {  	_ = 	snop  }
0x3c: {  	p2 =	seq.s32 s10, $0x1;
	s10 =	sld [smem:$0x3F72]  }
0x3d: {  	_ =	shalt  }
0x3e: {  	_ =	shalt  }
0x3f: {  	_ =	shalt  }
0x40: {  	_ =	shalt  }
0x41: {  	_ =	shalt  }
0x42: {  	_ =	shalt  }
0x43: {  	_ =	shalt  }
0x44: {  	_ =	shalt  }
0x45: {  	_ =	shalt  }
0x46: {  	_ =	shalt  }
0x47: {  	_ =	shalt  }
0x48: {  	_ =	shalt  }
0x49: {  	_ =	shalt  }
0x4a: {  	_ =	shalt  }
0x4b: {  	_ =	shalt  }
0x4c: {  	_ =	shalt  }
0x4d: {  	_ =	shalt  }
0x4e: {  	_ =	shalt  }
0x4f: {  	_ =	shalt  }
0x50: {  	_ =	shalt  }
0x51: {  	_ =	shalt  }
0x52: {  	_ =	shalt  }
0x53: {  	_ =	shalt  }
0x54: {  	_ =	shalt  }
0x55: {  	_ =	shalt  }
0x56: {  	_ =	shalt  }
0x57: {  	_ =	shalt  }
0x58: {  	_ =	shalt  }
0x59: {  	_ =	shalt  }
0x5a: {  	_ =	shalt  }
0x5b: {  	_ =	shalt  }
0x5c: {  	_ =	shalt  }
0x5d: {  	_ =	shalt  }
0x5e: {  	_ =	shalt  }
0x5f: {  	_ =	shalt  }
0x60: {  	_ =	shalt  }
0x61: {  	_ =	shalt  }
0x62: {  	_ =	shalt  }
0x63: {  	_ =	shalt  }
0x64: {  	_ =	shalt  }
0x65: {  	_ =	shalt  }
0x66: {  	_ =	shalt  }
0x67: {  	_ =	shalt  }
0x68: {  	_ =	shalt  }
0x69: {  	_ =	shalt  }
0x6a: {  	_ =	shalt  }
0x6b: {  	_ =	shalt  }
0x6c: {  	_ =	shalt  }
0x6d: {  	_ =	shalt  }
0x6e: {  	_ =	shalt  }
0x6f: {  	_ =	shalt  }
0x70: {  	_ =	shalt  }
0x71: {  	_ =	shalt  }
0x72: {  	_ =	shalt  }
0x73: {  	_ =	shalt  }
0x74: {  	_ =	shalt  }
0x75: {  	_ =	shalt  }
0x76: {  	_ =	shalt  }
0x77: {  	_ =	shalt  }
0x78: {  	_ =	shalt  }
0x79: {  	_ =	shalt  }
0x7a: {  	_ =	shalt  }
0x7b: {  	_ =	shalt  }
0x7c: {  	_ =	shalt  }
0x7d: {  	_ =	shalt  }
0x7e: {  	_ =	shalt  }
0x7f: {  	_ =	shalt  }
0x80: {  	_ =	shalt  }
0x81: {  	_ =	shalt  }
0x82: {  	_ =	shalt  }
0x83: {  	_ =	shalt  }
0x84: {  	_ =	shalt  }
0x85: {  	_ =	shalt  }
0x86: {  	_ =	shalt  }
0x87: {  	_ =	shalt  }
.Lfunc_end0:
.L_simem_size_0:
called_computation.2_lowered:
.L_overlay_start_0:
0x88: {  	s2 =	sld [smem:$0x3FD9]  }
0x89: {  	s3 =	sld [smem:$0x3FFE];
	_ =	sdelay $0x1  }
0x8a: {  	s1 =	srdreg.scid  }
0x8b: {  	s0 =	sand.u32 $0x1, s1  }
0x8c: {  	s17 =	sshll.u32 s0, $0xA;
	s2 =	sadd.s32 s3, s2  }
0x8d: {  	s2 =	sadd.s32 s2, s17  }
0x8e: {  	[smem:$0x3F7E] =	sst s2  }
0x8f: {  	_ = 	snop  }
0x90: {  	s2 =	sld [smem:$0x3FD0];
	(tm) =	ssettm $0x1  }
0x91: {  	s18 =	sld [smem:$0x3FFB];
	_ =	sdelay $0x3  }
0x92: {  	_ =	strace s18  }
0x93: {  	s3 =	sld [smem:$0x3FFC];
	_ =	sdelay $0x3  }
0x94: {  	_ =	strace s3  }
0x95: {  	s3 =	sld [smem:$0x3FFD];
	_ =	sdelay $0x3  }
0x96: {  	_ =	strace s3  }
0x97: {  	_ =	strace $0x8FFFFFFF  }
0x98: {  	s19 =	sld [smem:$0x3FDB];
	_ =	sdelay $0x1  }
0x99: {  	s4 =	simm.s32 $_scs_section_size  }
0x9a: {  	s5 =	simm.s32 $_size__tile_overlayer_lowered;
	s6 =	simm.s32 $_tile_overlayer_lowered  }
0x9b: {  	s22 =	simm.s32 $0x1BFF;
	s21 =	sshll.u32 s6, $0x1;
	s3 =	sadd.s32 s4, s19  }
0x9c: {  	s7 =	simm.s32 $0x0;
	s20 =	sshll.u32 s5, $0x1;
	s5 =	sadd.s32 s21, s3  }
0x9d: {  	[timem:s7], [sflag:s22] =	dma.local [hbm:s5], s20  }
0x9e: {  	_ =	swait.ge [sflag:s22], s20  }
0x9f: {  	s4 =	ssub.s32 $0x0, s20;
	[sflag:s22] =	ssyncset.done $0x0  }
0xa0: {  	[sflag:s22] =	ssyncadd.s32 s4;
	_ =	sdelay $0x1  }
0xa1: {  	s23 =	simm.s32 $0x1B8B  }
0xa2: {  	_ =	swait.ge [sflag:s23], $0x1  }
0xa3: {  	[sflag:s23] =	ssyncset.done $0x0  }
0xa4: {  	s25 =	simm.s32 $0x1B8E;
	s24 =	sld [smem:$0x3FFE];
	[sflag:s23] =	ssyncadd.s32 $0xFFFFFFFF  }
0xa5: {  	s26 =	simm.s32 $execute0_lowered;
	[smem:$0x3FD2] =	sst s25  }
0xa6: {  	s5 =	sshll.u32 s26, $0x1;
	_ =	strace $0x8000004C;
	[dreg:$0x1] =	wrdreg $0xFFFFFFFF  }
0xa7: {  	s28 =	simm.s32 $_size_execute0_lowered;
	s3 =	sadd.s32 s3, s5;
	[dreg:$0x0] =	wrdreg $0x0  }
0xa8: {  	s5 =	sshll.u32 s28, $0x1;
	[dreg:$0x2] =	wrdreg s3  }
0xa9: {  	[dreg:$0x3] =	wrdreg s5  }
0xaa: {  	[dreg:$0x4] =	wrdreg $0xC0  }
0xab: {  	_ =	task [dreg:s7], $0x5FFFF  }
0xac: {  	[dreg:$0x1] =	wrdreg $0xFFFFFFFF  }
0xad: {  	[dreg:$0x0] =	wrdreg $0x60  }
0xae: {  	[dreg:$0x2] =	wrdreg s2  }
0xaf: {  	[dreg:$0x3] =	wrdreg s24  }
0xb0: {  	[dreg:$0x4] =	wrdreg $0x9  }
0xb1: {  	_ =	task.clear_ibuf [dreg:s7], $0x5FFFF;
	_ =	strace $0x9000004C  }
0xb2: {  	s29 =	simm.s32 $0x9;
	_ =	strace $0x8000004E  }
0xb3: {  	_ =	swait.ge [sflag:s29], $0x1  }
0xb4: {  	[sflag:s29] =	ssyncadd.s32 $0xFFFFFFFF  }
0xb5: {  	_ =	strace $0x9000004E  }
0xb6: {  	_ =	sfence  }
0xb7: {  	s30 =	sld [smem:$0x0];
	_ =	sdelay $0x2  }
0xb8: {  	s31 =	sshll.u32 s1, $0xD;
	s1 =	sshrl.u32 s1, $0x2  }
0xb9: {  	s3 =	sand.u32 $0x4000, s31;
	s1 =	sadd.s32 s1, s30  }
0xba: {  	s0 =	sor.u32 s3, s0;
	s1 =	sshll.u32 s1, $0x11  }
0xbb: {  	s0 =	sor.u32 s1, s0  }
0xbc: {  	s0 =	sadd.s32 $0x8F2B, s0  }
0xbd: {  	[sflag:s0] =	ssyncadd.remote.s32 $0x1  }
0xbe: {  	_ =	sfence.sel $0xFFFF  }
0xbf: {  	[dreg:$0x0] =	wrdreg $0xFFFFFFFF;
	(pc) =	sbr.abs _section_cstart, $3  }
0xc0: {  	[dreg:$0x1] =	wrdreg $0xFFFFFFFF  }
0xc1: {  	_ =	task.clear_ibuf [dreg:s7], $0x2FFFF;
	_ =	strace $0x9FFFFFFF  }
0xc2: {  	(tm) =	ssettm $0x7FFFFFFF  }
0xc3: {  	_ =	shalt  }
tec
execute0_lowered:
.L_overlay_start_1:
0x0: {  	(tag) =	ssettag $0x1  }
0x1: {  	s1 =	srdreg.scid;
	s0 =	stileid.u32  }
0x2: {  	s5 =	sand.u32 $0x1, s1;
	s6 =	sshll.u32 s0, $0x1  }
0x3: {  	s6 =	sor.u32 s5, s6  }
0x4: {  	p0 =	sgt.u32 s6, $0x18  }
.Ltmp0:
0x5: {  	_ = 	snop;
	(pc) =	sbr.rel @p0 .LBB2_5-.Ltmp0, $4  }
0x6: {  	s2 =	rddreg [dreg:$0x0]  }
0x7: {  	s4 =	rddreg [dreg:$0x1];
	s3 =	simm.s32 $0x0  }
0x8: {  	[smem:$0x7FF] =	sst s3  }
0x9: {  	s1 =	rddreg [dreg:$0x2];
	_ =	strace $0x8000004D  }
0xa: {  	s8 =	smul.u32 $0x9C40, s6  }
0xb: {  	s29 =	smul.u32 $0x27100, s6  }
0xc: {  	s7 =	sadd.s32 $0xDC00, s4;
	s9 =	sadd.s32 $0x628400, s4;
	s11 =	smul.u32 $0x4E200, s0  }
0xd: {  	s28 =	ssub.s32 $0x2, s5;
	s30 =	smul.u32 $0x27100, s5;
	s12 =	simm.s32 $0xCE40  }
0xe: {  	s13 =	simm.s32 $0x1;
	s14 =	simm.s32 $0x2;
	s15 =	simm.s32 $0x3  }
0xf: {  	s16 =	simm.s32 $0x4;
	s17 =	simm.s32 $0x0;
	s10 =	sshrl.u32 s28, $0x1  }
0x10: {  	s8 =	sshrl.u32 s8, $0x3;
	s10 =	ssub.s32 s28, s10;
	s31 =	sadd.s32 s9, s29  }
0x11: {  	s9 =	sadd.s32 s11, s9;
	s11 =	simm.s32 $0x9C40;
	s4 =	sadd.s32 s7, s8  }
0x12: {  	s5 =	smax.u32 s10, $0x1;
	s6 =	sadd.s32 $0x26480, s31;
	s7 =	sadd.s32 $0x26AC0, s31  }
0x13: {  	s8 =	sadd.s32 s30, s9;
	s9 =	simm.s32 $0x5;
	s10 =	simm.s32 $0x190  }
.LBB2_2:
0x14: {  	s18 =	simm.s32 $0x0  }
0x15: {  	[tilespmem:s18], [sflag:$0x5] =	stream.linear.gather [hbm4b:s4+s18], $0x9C40, $0x38;
	[tilespmem:$0x10040] =	vst v63  }
0x16: {  	_ =	swait.ge [sflag:s9], $0x9C40  }
0x17: {  	[sflag:s9] =	ssyncset.done $0x0  }
0x18: {  	[sflag:s9] =	ssyncadd.s32 $0xFFFF63C0  }
0x19: {  	[tilespmem:s11], [sflag:$0x1] =	stream.indirect.gather [hbm4b:s2+s10], $0x20, s18, s10, $0xb8;
	[tilespmem:$0x10040] =	vst v63  }
0x1a: {  	_ = 	snop  }
0x1b: {  	[tilespmem:s12], [sflag:$0x2] =	stream.indirect.gather [hbm4b:s2+s10], $0x20, s10, s10, $0xb8;
	[tilespmem:$0x10040] =	vst v63  }
0x1c: {  	_ =	swait.ge [sflag:s13], $0x3200  }
0x1d: {  	[sflag:s13] =	ssyncset.done $0x0  }
0x1e: {  	s30 =	sadd.s32 $0x0, s8;
	[sflag:s13] =	ssyncadd.s32 $0xFFFFCE00  }
0x1f: {  	[hbm4b:s30+s3] =	stream.linear.scatter [tilespmem:s11], [sflag:$0x3], $0x3200, $0x38;
	[tilespmem:$0x10040] =	vst v63  }
0x20: {  	_ =	swait.ge [sflag:s14], $0x3200  }
0x21: {  	[sflag:s14] =	ssyncset.done $0x0  }
0x22: {  	s18 =	sadd.s32 $0x640, s30;
	[sflag:s14] =	ssyncadd.s32 $0xFFFFCE00  }
0x23: {  	[hbm4b:s18+s3] =	stream.linear.scatter [tilespmem:s12], [sflag:$0x4], $0x3200, $0x38;
	[tilespmem:$0x10040] =	vst v63  }
0x24: {  	_ =	swait.ge [sflag:s15], $0x3200  }
0x25: {  	[sflag:s15] =	ssyncset.done $0x0  }
0x26: {  	s31 =	simm.s32 $0x320;
	[sflag:s15] =	ssyncadd.s32 $0xFFFFCE00  }
0x27: {  	[tilespmem:s11], [sflag:$0x1] =	stream.indirect.gather [hbm4b:s2+s10], $0x20, s31, s10, $0xb8;
	[tilespmem:$0x10040] =	vst v63  }
0x28: {  	_ =	swait.ge [sflag:s16], $0x3200  }
0x29: {  	[sflag:s16] =	ssyncset.done $0x0  }
0x2a: {  	s19 =	simm.s32 $0x4B0;
	s18 =	simm.s32 $0xC80;
	[sflag:s16] =	ssyncadd.s32 $0xFFFFCE00  }
.LBB2_3:
0x2b: {  	[tilespmem:s12], [sflag:$0x2] =	stream.indirect.gather [hbm4b:s2+s10], $0x20, s19, s10, $0xb8;
	[tilespmem:$0x10040] =	vst v63  }
0x2c: {  	s19 =	smov.u32 s18  }
0x2d: {  	p0 =	sne.s32 s18, $0x25800;
	s18 =	sadd.s32 $0xC80, s18;
	_ =	swait.ge [sflag:s13], $0x3200  }
0x2e: {  	[sflag:s13] =	ssyncset.done $0x0  }
0x2f: {  	s20 =	sadd.s32 s19, s8;
	[sflag:s13] =	ssyncadd.s32 $0xFFFFCE00  }
0x30: {  	[hbm4b:s20+s3] =	stream.linear.scatter [tilespmem:s11], [sflag:$0x3], $0x3200, $0x38;
	[tilespmem:$0x10040] =	vst v63  }
0x31: {  	_ =	swait.ge [sflag:s14], $0x3200  }
0x32: {  	[sflag:s14] =	ssyncset.done $0x0  }
0x33: {  	s20 =	sadd.s32 $0x640, s20;
	[sflag:s14] =	ssyncadd.s32 $0xFFFFCE00  }
0x34: {  	[hbm4b:s20+s3] =	stream.linear.scatter [tilespmem:s12], [sflag:$0x4], $0x3200, $0x38;
	[tilespmem:$0x10040] =	vst v63  }
0x35: {  	_ =	swait.ge [sflag:s15], $0x3200  }
0x36: {  	s19 =	sshra.s32 s19, $0x2;
	[sflag:s15] =	ssyncset.done $0x0  }
.Ltmp1:
0x37: {  	s20 =	sadd.s32 $0x320, s19;
	[sflag:s15] =	ssyncadd.s32 $0xFFFFCE00;
	(pc) =	sbr.rel @p0 .LBB2_3-.Ltmp1, $4  }
0x38: {  	[tilespmem:s11], [sflag:$0x1] =	stream.indirect.gather [hbm4b:s2+s10], $0x20, s20, s10, $0xb8;
	[tilespmem:$0x10040] =	vst v63  }
0x39: {  	_ =	swait.ge [sflag:s16], $0x3200  }
0x3a: {  	[sflag:s16] =	ssyncset.done $0x0  }
0x3b: {  	s19 =	sadd.s32 $0x4B0, s19;
	[sflag:s16] =	ssyncadd.s32 $0xFFFFCE00  }
0x3c: {  	[tilespmem:s12], [sflag:$0x2] =	stream.indirect.gather [hbm4b:s2+s10], $0x20, s19, s10, $0xb8;
	[tilespmem:$0x10040] =	vst v63  }
0x3d: {  	_ =	swait.ge [sflag:s13], $0x3200  }
0x3e: {  	[sflag:s13] =	ssyncset.done $0x0  }
0x3f: {  	[sflag:s13] =	ssyncadd.s32 $0xFFFFCE00  }
0x40: {  	[hbm4b:s6+s3] =	stream.linear.scatter [tilespmem:s11], [sflag:$0x3], $0x3200, $0x38;
	[tilespmem:$0x10040] =	vst v63  }
0x41: {  	_ =	swait.ge [sflag:s14], $0x3200  }
0x42: {  	[sflag:s14] =	ssyncset.done $0x0  }
0x43: {  	s17 =	sadd.s32 $0x1, s17;
	[sflag:s14] =	ssyncadd.s32 $0xFFFFCE00  }
0x44: {  	[hbm4b:s7+s3] =	stream.linear.scatter [tilespmem:s12], [sflag:$0x4], $0x3200, $0x38;
	[tilespmem:$0x10040] =	vst v63  }
0x45: {  	p0 =	sne.s32 s17, s5;
	_ =	swait.ge [sflag:s15], $0x3200  }
.Ltmp2:
0x46: {  	[sflag:s15] =	ssyncset.done $0x0;
	(pc) =	sbr.rel @p0 .LBB2_2-.Ltmp2, $4  }
0x47: {  	[sflag:s15] =	ssyncadd.s32 $0xFFFFCE00  }
0x48: {  	_ =	swait.ge [sflag:s16], $0x3200  }
0x49: {  	[sflag:s16] =	ssyncset.done $0x0  }
0x4a: {  	[sflag:s16] =	ssyncadd.s32 $0xFFFFCE00  }
.LBB2_5:
0x4b: {  	_ =	sfence.sel $0x180000  }
0x4c: {  	[bflag:$0x0] =	sbarrier.arrive $0xFFFF  }
0x4d: {  	p0 =	sne.s32 s0, $0x0;
	_ =	strace $0x9000004D  }
0x4e: {  	s0 =	sadd.s32 @!p0 $0x100000, s1;
	[bflag:$0x2] =	sbarrier.arrive $0xFFFF  }
0x4f: {  	[sflag:s0] =	ssyncadd.tile.s32 @!p0 $0x1;
	_ =	shalt  }
.Lfunc_end2:
_tile_overlayer_lowered:
.L_overlay_start_2:
0x50: {  	(tag) =	ssettag $0x2  }
0x51: {  	s0 =	rddreg [dreg:$0x0];
	s2 =	stileid.u32  }
0x52: {  	s1 =	rddreg [dreg:$0x1];
	p0 =	sne.s32 s2, $0x0  }
0x53: {  	s3 =	rddreg [dreg:$0x2];
	[bflag:$0x3] =	sbarrier.arrive $0xFFFF;
	s2 =	simm.s32 @!p0 $0x1C05  }
0x54: {  	[timem:s3], [sflag:s2] =	dma.local @!p0 [hbm:s0], s1  }
0x55: {  	s0 =	simm.s32 @!p0 $0x5  }
0x56: {  	_ =	swait.ge @!p0 [sflag:s0], s1  }
0x57: {  	s1 =	ssub.s32 @!p0 $0x0, s1;
	[sflag:s0] =	ssyncset.done @!p0 $0x0  }
0x58: {  	[sflag:s0] =	ssyncadd.s32 @!p0 s1  }
0x59: {  	[bflag:$0x3] =	sbarrier.arrive $0xFFFF  }
0x5a: {  	_ =	shalt  }

</sc_bundles>
